<compile_context>
chip_gen: v7x
topology: tpu7x:2x2x1
jax: 0.10.2.dev20260603
libtpu: 0.0.44.dev20260713+nightly
codegen_flags: <defaults>
</compile_context>

<pallas_src>
import functools

import jax
import jax.numpy as jnp
from jax import lax
from jax.experimental import pallas as pl
from jax.experimental.pallas import tpu as pltpu
from jax.experimental.pallas import tpu_sc as plsc

_B = 1024
_D = 128
_H = 100000
_DOUT = 128
_R = 64
_HB = 2048
_NBLK = 784
_HPAD = _NBLK * 128
_NW = 32
_RPW = _B // _NW


def _scores_body(x_ref, w_ref, out_ref, bm_ref):
    j = pl.program_id(0)
    s = lax.dot_general(
        x_ref[...], w_ref[...],
        dimension_numbers=(((1,), (1,)), ((), ())),
        preferred_element_type=jnp.float32,
    )
    col = j * _HB + lax.broadcasted_iota(jnp.int32, s.shape, 1)
    s = jnp.where(col < _H, s, -1e30)
    out_ref[...] = s
    cols = []
    for k in range(_HB // 128):
        cols.append(jnp.max(s[:, k * 128:(k + 1) * 128], axis=1, keepdims=True))
    bm_ref[...] = jnp.concatenate(cols, axis=1)[None]


def _scores(x, w_in):
    grid = (_HPAD // _HB,)
    return pl.pallas_call(
        _scores_body,
        grid=grid,
        in_specs=[
            pl.BlockSpec((_B, _D), lambda j: (0, 0)),
            pl.BlockSpec((_HB, _D), lambda j: (j, 0)),
        ],
        out_specs=[
            pl.BlockSpec((_B, _HB), lambda j: (0, j)),
            pl.BlockSpec((1, _B, _HB // 128), lambda j: (j, 0, 0)),
        ],
        out_shape=[
            jax.ShapeDtypeStruct((_B, _HPAD), jnp.float32),
            jax.ShapeDtypeStruct((_HPAD // _HB, _B, _HB // 128), jnp.float32),
        ],
    )(x, w_in)


def _sc_select_combine(x, bm, chunks, w_gate, w_out):
    mesh = plsc.VectorSubcoreMesh(core_axis_name="c", subcore_axis_name="s")

    @functools.partial(
        pl.kernel,
        mesh=mesh,
        out_type=jax.ShapeDtypeStruct((_B, _DOUT), jnp.float32),
        scratch_types=[
            pltpu.VMEM((_D,), jnp.float32),
            pltpu.VMEM((_NBLK,), jnp.float32),
            pltpu.VMEM((_NBLK,), jnp.uint32),
            pltpu.VMEM((96,), jnp.int32),
            pltpu.VMEM((64,), jnp.int32),
            pltpu.VMEM((64, 128), jnp.float32),
            pltpu.VMEM((8208,), jnp.uint32),
            pltpu.VMEM((8208,), jnp.int32),
            pltpu.VMEM((96,), jnp.uint32),
            pltpu.VMEM((96,), jnp.int32),
            pltpu.VMEM((64,), jnp.float32),
            pltpu.VMEM((64, 128), jnp.float32),
            pltpu.VMEM((64, 128), jnp.float32),
            pltpu.VMEM((_DOUT,), jnp.float32),
            pltpu.SemaphoreType.DMA,
        ],
        compiler_params=pltpu.CompilerParams(needs_layout_passes=False),
    )
    def k(x_hbm, bm_hbm, ch_hbm, wg_hbm, wo_hbm, out_hbm,
          xrow, bmrow, ukeys, blksel, blkg, cand, sk, scol, fk, fcol,
          coef, grows, vrows, orow, sem):
        wid = lax.axis_index("s") * 2 + lax.axis_index("c")
        iota = lax.broadcasted_iota(jnp.int32, (16,), 0)
        i32max = jnp.int32(0x7FFFFFFF)

        def ukey_of(v):
            i = plsc.bitcast(v, jnp.int32)
            s = i ^ (lax.shift_right_arithmetic(i, 31) & i32max)
            return plsc.bitcast(s, jnp.uint32) ^ jnp.uint32(0x80000000)

        def fval_of(u):
            s = plsc.bitcast(u ^ jnp.uint32(0x80000000), jnp.int32)
            i = s ^ (lax.shift_right_arithmetic(s, 31) & i32max)
            return plsc.bitcast(i, jnp.float32)

        def count_ge(buf, n16, t):
            tv = jnp.full((16,), t, jnp.uint32)

            def cnt(j, acc):
                return acc + (buf[pl.ds(j * 16, 16)] >= tv).astype(jnp.int32)

            accv = lax.fori_loop(0, n16, cnt, jnp.zeros((16,), jnp.int32))
            return jnp.sum(accv)

        def select64(buf, n16, k_want):
            def bit_step(t, T):
                bit = lax.shift_left(jnp.uint32(1), (31 - t).astype(jnp.uint32))
                cand_t = T | bit
                c = count_ge(buf, n16, cand_t)
                return jnp.where(c >= k_want, cand_t, T)

            return lax.fori_loop(0, 32, bit_step, jnp.uint32(0))

        def fill64(src, n16, T, dst_k, dst_i, idx_of):
            def mk_pass(strict):
                def step(j, cnt):
                    u = src[pl.ds(j * 16, 16)]
                    m = (u > T) if strict else (u == T)

                    @pl.when(cnt < 64)
                    def _():
                        plsc.store_compressed(dst_k.at[pl.ds(cnt, 16)], u, mask=m)
                        plsc.store_compressed(dst_i.at[pl.ds(cnt, 16)],
                                              idx_of(j), mask=m)

                    n = jnp.max(plsc.all_reduce_population_count(m))
                    return cnt + jnp.where(cnt < 64, n, 0)

                return step

            cnt = lax.fori_loop(0, n16, mk_pass(True), jnp.int32(0))
            cnt = lax.fori_loop(0, n16, mk_pass(False), cnt)
            return cnt

        c_gelu1 = jnp.float32(0.7978845608028654)
        c_gelu2 = jnp.float32(0.044715)

        def row_body(rb, _):
            b = wid * _RPW + rb
            pltpu.sync_copy(x_hbm.at[b], xrow)
            pltpu.sync_copy(bm_hbm.at[b], bmrow)

            def mkkey(j, _c):
                ukeys[pl.ds(j * 16, 16)] = ukey_of(bmrow[pl.ds(j * 16, 16)])
                return _c

            lax.fori_loop(0, _NBLK // 16, mkkey, jnp.int32(0))

            T1 = select64(ukeys, _NBLK // 16, 64)
            fill64(ukeys, _NBLK // 16, T1, fk, blksel,
                   lambda j: j * 16 + iota)

            def mkg(j, _c):
                blkg[pl.ds(j * 16, 16)] = (blksel[pl.ds(j * 16, 16)]
                                           + b * _NBLK)
                return _c

            lax.fori_loop(0, 4, mkg, jnp.int32(0))
            pltpu.async_copy(ch_hbm.at[blkg], cand, sem).wait()

            def scan_r(r, m):
                bg = plsc.load_gather(blksel, [jnp.full((16,), r, jnp.int32)])
                for c in range(8):
                    u = ukey_of(cand[r, pl.ds(c * 16, 16)])
                    msk = u >= T1
                    col = bg * 128 + (c * 16 + iota)
                    plsc.store_compressed(sk.at[pl.ds(m, 16)], u, mask=msk)
                    plsc.store_compressed(scol.at[pl.ds(m, 16)], col, mask=msk)
                    m = m + jnp.max(plsc.all_reduce_population_count(msk))
                return m

            M = lax.fori_loop(0, 64, scan_r, jnp.int32(0))
            sk[pl.ds(M, 16)] = jnp.zeros((16,), jnp.uint32)

            nv2 = (M + 15) // 16
            T2 = select64(sk, nv2, 64)
            fill64(sk, nv2, T2, fk, fcol,
                   lambda j: scol[pl.ds(j * 16, 16)])

            pltpu.async_copy(wg_hbm.at[fcol.at[pl.ds(0, 64)]], grows,
                             sem).wait()
            pltpu.async_copy(wo_hbm.at[fcol.at[pl.ds(0, 64)]], vrows,
                             sem).wait()

            def dot_r(r, _c):
                acc = jnp.zeros((16,), jnp.float32)
                for c in range(8):
                    acc = acc + (xrow[pl.ds(c * 16, 16)]
                                 * grows[r, pl.ds(c * 16, 16)])
                g = jnp.sum(acc)
                plsc.store_scatter(coef, [jnp.full((16,), r, jnp.int32)],
                                   jnp.full((16,), g, jnp.float32),
                                   mask=(iota == 0))
                return _c

            lax.fori_loop(0, 64, dot_r, jnp.int32(0))

            for j in range(4):
                g = coef[pl.ds(j * 16, 16)]
                sval = fval_of(fk[pl.ds(j * 16, 16)])
                t = c_gelu1 * (g + c_gelu2 * g * g * g)
                e = jnp.exp(jnp.float32(2.0) * t)
                tanh_t = jnp.float32(1.0) - jnp.float32(2.0) / (e + 1.0)
                gelu = jnp.float32(0.5) * g * (jnp.float32(1.0) + tanh_t)
                coef[pl.ds(j * 16, 16)] = sval * gelu

            def acc_r(r, carry):
                s = plsc.load_gather(coef, [jnp.full((16,), r, jnp.int32)])
                return tuple(carry[c] + s * vrows[r, pl.ds(c * 16, 16)]
                             for c in range(8))

            accs = lax.fori_loop(
                0, 64, acc_r,
                tuple(jnp.zeros((16,), jnp.float32) for _ in range(8)))
            for c in range(8):
                orow[pl.ds(c * 16, 16)] = accs[c]
            pltpu.sync_copy(orow, out_hbm.at[b])
            return jnp.int32(0)

        lax.fori_loop(0, _RPW, row_body, jnp.int32(0))

    return k(x, bm, chunks, w_gate, w_out)


def kernel(x_b_D, W_in, W_gate, W_out):
    x = x_b_D.reshape(-1, x_b_D.shape[-1])
    scores, bm3 = _scores(x, W_in)
    bm = bm3.transpose(1, 0, 2).reshape(_B, _NBLK)
    chunks = scores.reshape(_B * _NBLK, 128)
    out = _sc_select_combine(x, bm, chunks, W_gate, W_out)
    return out.reshape(x_b_D.shape[:-1] + (_DOUT,))

# --- scband reference (transcript-rebuilt; emitter-appended) ---
"""Pipeline reference for scband-sparse-gated-mlp-32676111188159 (READ-ONLY COPY).

The authoritative reference and input builder live on the scoring server;
editing this copy changes nothing except your own understanding.
"""

import jax, jax.numpy as jnp
import numpy as np

B = 1024
D = 128
H = 100000
DOUT = 128
R = 64

def setup_inputs(seed: int = 0) -> dict:
    key = jax.random.key(seed)
    k1, k2, k3, k4 = jax.random.split(key, 4)
    x_b_D = jax.random.normal(k1, (B, D), dtype=jnp.float32)
    W_in = jax.random.normal(k2, (H, D), dtype=jnp.float32) * 0.02
    W_gate = jax.random.normal(k3, (H, D), dtype=jnp.float32) * 0.02
    W_out = jax.random.normal(k4, (H, DOUT), dtype=jnp.float32) * 0.1
    return {"x_b_D": x_b_D, "W_in": W_in, "W_gate": W_gate, "W_out": W_out}

def reference(x_b_D, W_in, W_gate, W_out):
    # Flatten leading dims (original does x_b_D.view(-1, D))
    x_B_D = x_b_D.reshape(-1, x_b_D.shape[-1])
    # cagra inner-product ANN search -> exact inner-product top-k over key rows
    scores_B_H = jnp.dot(x_B_D, W_in.T)
    _, indices_B_R = jax.lax.top_k(scores_B_H, R)
    # Gather retrieved keys / values / gate keys
    retrieved_keys_B_R_D = jnp.take(W_in, indices_B_R, axis=0)
    retrieved_values_B_R_D = jnp.take(W_out, indices_B_R, axis=0)
    retrieved_gate_keys_B_R_D = jnp.take(W_gate, indices_B_R, axis=0)
    # Retrieval coefficients: bmm(x[:,None,:], keys^T) -> [B, R]
    retrieval_coefficients_B_R = jnp.einsum('bd,brd->br', x_B_D, retrieved_keys_B_R_D)
    gate_values_B_R = jnp.einsum('bd,brd->br', x_B_D, retrieved_gate_keys_B_R_D)
    retrieval_coefficients_B_R = retrieval_coefficients_B_R * jax.nn.gelu(gate_values_B_R, approximate=True)
    retrievals_B_D = jnp.einsum('br,brd->bd', retrieval_coefficients_B_R, retrieved_values_B_R_D)
    return retrievals_B_D.reshape(x_b_D.shape[:-1] + (DOUT,))

if __name__ == "__main__":
    import jax
    _d = setup_inputs()
    print(jax.jit(kernel)(*tuple(_d.values())))

</pallas_src>

<mosaic_0001>
#map = affine_map<(d0, d1) -> (0, 0)>
module attributes {stable_mosaic.version = 14 : i64} {
  func.func @k(%arg0: i32, %arg1: i32, %arg2: memref<1024x128xf32, #tpu.memory_space<hbm>>, %arg3: memref<1024x784xf32, #tpu.memory_space<hbm>>, %arg4: memref<802816x128xf32, #tpu.memory_space<hbm>>, %arg5: memref<100000x128xf32, #tpu.memory_space<hbm>>, %arg6: memref<100000x128xf32, #tpu.memory_space<hbm>>, %arg7: memref<1024x128xf32, #tpu.memory_space<hbm>>, %arg8: memref<128xf32, #tpu.memory_space<vmem>>, %arg9: memref<784xf32, #tpu.memory_space<vmem>>, %arg10: memref<784xi32, #tpu.memory_space<vmem>>, %arg11: memref<96xi32, #tpu.memory_space<vmem>>, %arg12: memref<64xi32, #tpu.memory_space<vmem>>, %arg13: memref<64x128xf32, #tpu.memory_space<vmem>>, %arg14: memref<8208xi32, #tpu.memory_space<vmem>>, %arg15: memref<8208xi32, #tpu.memory_space<vmem>>, %arg16: memref<96xi32, #tpu.memory_space<vmem>>, %arg17: memref<96xi32, #tpu.memory_space<vmem>>, %arg18: memref<64xf32, #tpu.memory_space<vmem>>, %arg19: memref<64x128xf32, #tpu.memory_space<vmem>>, %arg20: memref<64x128xf32, #tpu.memory_space<vmem>>, %arg21: memref<128xf32, #tpu.memory_space<vmem>>, %arg22: memref<!tpu.dma_semaphore, #tpu.memory_space<semaphore_mem>>) attributes {dimension_semantics = [#tpu.dimension_semantics<core_parallel>, #tpu.dimension_semantics<subcore_parallel>], iteration_bounds = array<i64: 2, 16>, scalar_prefetch = 0 : i64, scratch_operands = 15 : i64, tpu.core_type = #tpu.core_type<sc_vector_subcore>, window_params = [{transform_indices = #map}, {transform_indices = #map}, {transform_indices = #map}, {transform_indices = #map}, {transform_indices = #map}, {transform_indices = #map}]} {
    %mul3A = arith.constant 2 : i32
    %mul3A_0 = arith.muli %arg1, %mul3A : i32
    %add3A = arith.addi %mul3A_0, %arg0 : i32
    %iota3A = tpu.iota {dimensions = array<i32: 0>} : vector<16xi32>
    %scan3A = arith.constant 2147483647 : i32
    %scan3A_1 = arith.constant 4.471500e-02 : f32
    %scan3A_2 = arith.constant 0.797884583 : f32
    %scan3A_3 = arith.constant 0 : i32
    %scan3A_4 = arith.constant 0 : i32
    %scan3A_5 = arith.constant 32 : i32
    %scan3A_6 = arith.addi %scan3A_4, %scan3A_5 : i32
    %scan3A_7 = arith.constant 1 : i32
    %scan3A_8 = scf.for %scan3A_10 = %scan3A_4 to %scan3A_6 step %scan3A_7 iter_args(%scan3A_11 = %scan3A_3) -> (i32)  : i32 {
      %mul3A_12 = arith.constant 32 : i32
      %mul3A_13 = arith.muli %add3A, %mul3A_12 : i32
      %add3A_14 = arith.addi %mul3A_13, %scan3A_10 : i32
      "tpu.region"() ({
        %run_scoped3A = tpu.sem_alloc : memref<!tpu.dma_semaphore, #tpu.memory_space<semaphore_mem>>
        %dma_start3A_347 = arith.constant 0 : i32
        %dma_start3A_348 = tpu.memref_slice %arg2[%add3A_14, %dma_start3A_347] : memref<1024x128xf32, #tpu.memory_space<hbm>> -> memref<1x128xf32, #tpu.memory_space<hbm>>
        %dma_start3A_349 = tpu.memref_squeeze %dma_start3A_348 : memref<1x128xf32, #tpu.memory_space<hbm>> -> memref<128xf32, #tpu.memory_space<hbm>>
        %dma_start3A_350 = arith.constant 0 : i32
        %dma_start3A_351 = tpu.memref_slice %arg2[%add3A_14, %dma_start3A_350] : memref<1024x128xf32, #tpu.memory_space<hbm>> -> memref<1x128xf32, #tpu.memory_space<hbm>>
        %dma_start3A_352 = tpu.memref_squeeze %dma_start3A_351 : memref<1x128xf32, #tpu.memory_space<hbm>> -> memref<128xf32, #tpu.memory_space<hbm>>
        tpu.enqueue_dma source(%dma_start3A_352 : memref<128xf32, #tpu.memory_space<hbm>>) target(%arg8 : memref<128xf32, #tpu.memory_space<vmem>>) target_semaphore(%run_scoped3A : memref<!tpu.dma_semaphore, #tpu.memory_space<semaphore_mem>>)
        %dma_wait3A_353 = arith.constant 0 : i32
        %dma_wait3A_354 = tpu.memref_slice %arg2[%add3A_14, %dma_wait3A_353] : memref<1024x128xf32, #tpu.memory_space<hbm>> -> memref<1x128xf32, #tpu.memory_space<hbm>>
        %dma_wait3A_355 = tpu.memref_squeeze %dma_wait3A_354 : memref<1x128xf32, #tpu.memory_space<hbm>> -> memref<128xf32, #tpu.memory_space<hbm>>
        %dma_wait3A_356 = arith.constant 0 : i32
        %dma_wait3A_357 = tpu.memref_slice %arg2[%add3A_14, %dma_wait3A_356] : memref<1024x128xf32, #tpu.memory_space<hbm>> -> memref<1x128xf32, #tpu.memory_space<hbm>>
        %dma_wait3A_358 = tpu.memref_squeeze %dma_wait3A_357 : memref<1x128xf32, #tpu.memory_space<hbm>> -> memref<128xf32, #tpu.memory_space<hbm>>
        tpu.wait_dma2 semaphore(%run_scoped3A : memref<!tpu.dma_semaphore, #tpu.memory_space<semaphore_mem>>) src(%dma_wait3A_358 : memref<128xf32, #tpu.memory_space<hbm>>) dst(%arg8 : memref<128xf32, #tpu.memory_space<vmem>>)
        tpu.yield
      }) : () -> ()
      "tpu.region"() ({
        %run_scoped3A = tpu.sem_alloc : memref<!tpu.dma_semaphore, #tpu.memory_space<semaphore_mem>>
        %dma_start3A_347 = arith.constant 0 : i32
        %dma_start3A_348 = tpu.memref_slice %arg3[%add3A_14, %dma_start3A_347] : memref<1024x784xf32, #tpu.memory_space<hbm>> -> memref<1x784xf32, #tpu.memory_space<hbm>>
        %dma_start3A_349 = tpu.memref_squeeze %dma_start3A_348 : memref<1x784xf32, #tpu.memory_space<hbm>> -> memref<784xf32, #tpu.memory_space<hbm>>
        %dma_start3A_350 = arith.constant 0 : i32
        %dma_start3A_351 = tpu.memref_slice %arg3[%add3A_14, %dma_start3A_350] : memref<1024x784xf32, #tpu.memory_space<hbm>> -> memref<1x784xf32, #tpu.memory_space<hbm>>
        %dma_start3A_352 = tpu.memref_squeeze %dma_start3A_351 : memref<1x784xf32, #tpu.memory_space<hbm>> -> memref<784xf32, #tpu.memory_space<hbm>>
        tpu.enqueue_dma source(%dma_start3A_352 : memref<784xf32, #tpu.memory_space<hbm>>) target(%arg9 : memref<784xf32, #tpu.memory_space<vmem>>) target_semaphore(%run_scoped3A : memref<!tpu.dma_semaphore, #tpu.memory_space<semaphore_mem>>)
        %dma_wait3A_353 = arith.constant 0 : i32
        %dma_wait3A_354 = tpu.memref_slice %arg3[%add3A_14, %dma_wait3A_353] : memref<1024x784xf32, #tpu.memory_space<hbm>> -> memref<1x784xf32, #tpu.memory_space<hbm>>
        %dma_wait3A_355 = tpu.memref_squeeze %dma_wait3A_354 : memref<1x784xf32, #tpu.memory_space<hbm>> -> memref<784xf32, #tpu.memory_space<hbm>>
        %dma_wait3A_356 = arith.constant 0 : i32
        %dma_wait3A_357 = tpu.memref_slice %arg3[%add3A_14, %dma_wait3A_356] : memref<1024x784xf32, #tpu.memory_space<hbm>> -> memref<1x784xf32, #tpu.memory_space<hbm>>
        %dma_wait3A_358 = tpu.memref_squeeze %dma_wait3A_357 : memref<1x784xf32, #tpu.memory_space<hbm>> -> memref<784xf32, #tpu.memory_space<hbm>>
        tpu.wait_dma2 semaphore(%run_scoped3A : memref<!tpu.dma_semaphore, #tpu.memory_space<semaphore_mem>>) src(%dma_wait3A_358 : memref<784xf32, #tpu.memory_space<hbm>>) dst(%arg9 : memref<784xf32, #tpu.memory_space<vmem>>)
        tpu.yield
      }) : () -> ()
      %scan3A_15 = arith.constant 0 : i32
      %scan3A_16 = arith.constant 0 : i32
      %scan3A_17 = arith.constant 49 : i32
      %scan3A_18 = arith.addi %scan3A_16, %scan3A_17 : i32
      %scan3A_19 = arith.constant 1 : i32
      scf.for %scan3A_347 = %scan3A_16 to %scan3A_18 step %scan3A_19  : i32 {
        %mul3A_348 = arith.constant 16 : i32
        %mul3A_349 = arith.muli %scan3A_347, %mul3A_348 : i32
        %get3A_350 = arith.index_cast %mul3A_349 : i32 to index
        %get3A_351 = tpu.vector_load %arg9[%get3A_350] {strides = array<i32>} : memref<784xf32, #tpu.memory_space<vmem>>, vector<16xf32>,
        %bitcast3A_352 = vector.bitcast %get3A_351 : vector<16xf32> to vector<16xi32>
        %shift_right_arithmetic3A_353 = arith.constant 31 : i32
        %shift_right_arithmetic3A_354 = vector.broadcast %shift_right_arithmetic3A_353 : i32 to vector<16xi32>
        %shift_right_arithmetic3A_355 = arith.shrsi %bitcast3A_352, %shift_right_arithmetic3A_354 : vector<16xi32>
        %and3A_356 = vector.broadcast %scan3A : i32 to vector<16xi32>
        %and3A_357 = arith.andi %shift_right_arithmetic3A_355, %and3A_356 : vector<16xi32>
        %xor3A_358 = arith.xori %bitcast3A_352, %and3A_357 : vector<16xi32>
        %bitcast3A_359 = vector.bitcast %xor3A_358 : vector<16xi32> to vector<16xi32>
        %xor3A_360 = arith.constant -2147483648 : i32
        %xor3A_361 = vector.broadcast %xor3A_360 : i32 to vector<16xi32>
        %xor3A_362 = arith.xori %bitcast3A_359, %xor3A_361 : vector<16xi32>
        %mul3A_363 = arith.constant 16 : i32
        %mul3A_364 = arith.muli %scan3A_347, %mul3A_363 : i32
        %swap3A_365 = arith.index_cast %mul3A_364 : i32 to index
        %swap3A_366 = tpu.vector_load %arg10[%swap3A_365] {strides = array<i32>} : memref<784xi32, #tpu.memory_space<vmem>>, vector<16xi32>,
        tpu.vector_store %arg10[%swap3A_365], %xor3A_362 {strides = array<i32>} : memref<784xi32, #tpu.memory_space<vmem>>, vector<16xi32>,
      }
      %scan3A_20 = arith.constant 49 : i32
      %scan3A_21 = arith.constant 0 : i32
      %scan3A_22 = arith.constant 0 : i32
      %scan3A_23 = arith.constant 32 : i32
      %scan3A_24 = arith.addi %scan3A_22, %scan3A_23 : i32
      %scan3A_25 = arith.constant 1 : i32
      %scan3A_26 = scf.for %scan3A_347 = %scan3A_22 to %scan3A_24 step %scan3A_25 iter_args(%scan3A_348 = %scan3A_21) -> (i32)  : i32 {
        %sub3A_349 = arith.constant 31 : i32
        %sub3A_350 = arith.subi %sub3A_349, %scan3A_347 : i32
        %shift_left3A = arith.constant 1 : i32
        %shift_left3A_351 = arith.shli %shift_left3A, %sub3A_350 : i32
        %or3A = arith.ori %scan3A_348, %shift_left3A_351 : i32
        %broadcast_in_dim3A_352 = vector.broadcast %or3A : i32 to vector<16xi32>
        %broadcast_in_dim3A_353 = arith.constant 0 : i32
        %broadcast_in_dim3A_354 = vector.broadcast %broadcast_in_dim3A_353 : i32 to vector<16xi32>
        %scan3A_355 = arith.constant 0 : i32
        %scan3A_356 = arith.constant 49 : i32
        %scan3A_357 = arith.addi %scan3A_355, %scan3A_356 : i32
        %scan3A_358 = arith.constant 1 : i32
        %scan3A_359 = scf.for %scan3A_366 = %scan3A_355 to %scan3A_357 step %scan3A_358 iter_args(%scan3A_367 = %broadcast_in_dim3A_354) -> (vector<16xi32>)  : i32 {
          %mul3A_368 = arith.constant 16 : i32
          %mul3A_369 = arith.muli %scan3A_366, %mul3A_368 : i32
          %get3A_370 = arith.index_cast %mul3A_369 : i32 to index
          %get3A_371 = tpu.vector_load %arg10[%get3A_370] {strides = array<i32>} : memref<784xi32, #tpu.memory_space<vmem>>, vector<16xi32>,
          %ge3A_372 = arith.cmpi uge, %get3A_371, %broadcast_in_dim3A_352 : vector<16xi32>
          %convert_element_type3A = arith.extui %ge3A_372 : vector<16xi1> to vector<16xi32>
          %add3A_373 = arith.addi %scan3A_367, %convert_element_type3A : vector<16xi32>
          scf.yield %add3A_373 : vector<16xi32>
        }
        %scan3A_360 = arith.constant 49 : i32
        %reduce_sum3A = arith.constant true
        %reduce_sum3A_361 = vector.broadcast %reduce_sum3A : i1 to vector<16xi1>
        %reduce_sum3A_362 = tpu.scan <sum>, %scan3A_359 masked %reduce_sum3A_361 : vector<16xi32>, vector<16xi1> -> vector<16xi32>
        %reduce_sum3A_363 = vector.extract %reduce_sum3A_362[15] : i32 from vector<16xi32>
        %ge3A = arith.constant 64 : i32
        %ge3A_364 = arith.cmpi sge, %reduce_sum3A_363, %ge3A : i32
        %select_n3A_365 = arith.select %ge3A_364, %or3A, %scan3A_348 : i32
        scf.yield %select_n3A_365 : i32
      }
      %scan3A_27 = arith.constant 32 : i32
      %scan3A_28 = arith.constant 0 : i32
      %scan3A_29 = arith.constant 0 : i32
      %scan3A_30 = arith.constant 49 : i32
      %scan3A_31 = arith.addi %scan3A_29, %scan3A_30 : i32
      %scan3A_32 = arith.constant 1 : i32
      %scan3A_33 = scf.for %scan3A_347 = %scan3A_29 to %scan3A_31 step %scan3A_32 iter_args(%scan3A_348 = %scan3A_28) -> (i32)  : i32 {
        %mul3A_349 = arith.constant 16 : i32
        %mul3A_350 = arith.muli %scan3A_347, %mul3A_349 : i32
        %get3A_351 = arith.index_cast %mul3A_350 : i32 to index
        %get3A_352 = tpu.vector_load %arg10[%get3A_351] {strides = array<i32>} : memref<784xi32, #tpu.memory_space<vmem>>, vector<16xi32>,
        %gt3A = vector.broadcast %scan3A_26 : i32 to vector<16xi32>
        %gt3A_353 = arith.cmpi ugt, %get3A_352, %gt3A : vector<16xi32>
        %lt3A = arith.constant 64 : i32
        %lt3A_354 = arith.cmpi slt, %scan3A_348, %lt3A : i32
        %convert_element_type3A = arith.extui %lt3A_354 : i1 to i32
        %cond3A = arith.constant 0 : i32
        %cond3A_355 = arith.cmpi ne, %convert_element_type3A, %cond3A : i32
        scf.if %cond3A_355 {
          %swap3A_368 = arith.index_cast %scan3A_348 : i32 to index
          %swap3A_369 = tpu.vector_load %arg16[%swap3A_368] masked %gt3A_353 {strides = array<i32>} : memref<96xi32, #tpu.memory_space<vmem>>, vector<16xi32>, vector<16xi1>
          tpu.vector_store %arg16[%swap3A_368], %get3A_352 masked %gt3A_353 {strides = array<i32>} : memref<96xi32, #tpu.memory_space<vmem>>, vector<16xi32>, vector<16xi1>
          %mul3A_370 = arith.constant 16 : i32
          %mul3A_371 = arith.muli %scan3A_347, %mul3A_370 : i32
          %add3A_372 = vector.broadcast %mul3A_371 : i32 to vector<16xi32>
          %add3A_373 = arith.addi %add3A_372, %iota3A : vector<16xi32>
          %swap3A_374 = arith.index_cast %scan3A_348 : i32 to index
          %swap3A_375 = tpu.vector_load %arg11[%swap3A_374] masked %gt3A_353 {strides = array<i32>} : memref<96xi32, #tpu.memory_space<vmem>>, vector<16xi32>, vector<16xi1>
          tpu.vector_store %arg11[%swap3A_374], %add3A_373 masked %gt3A_353 {strides = array<i32>} : memref<96xi32, #tpu.memory_space<vmem>>, vector<16xi32>, vector<16xi1>
        } else {
        }
        %all_reduce_population_count3A = tpu.all_reduce %gt3A_353 {dim = 0 : i64, kind = #tpu.reduction_kind<sum>} : vector<16xi1> -> vector<16xi32>
        %reduce_max3A = arith.constant true
        %reduce_max3A_356 = vector.broadcast %reduce_max3A : i1 to vector<16xi1>
        %reduce_max3A_357 = arith.constant -2147483648 : i32
        %reduce_max3A_358 = vector.broadcast %reduce_max3A_357 : i32 to vector<16xi32>
        %reduce_max3A_359 = arith.xori %all_reduce_population_count3A, %reduce_max3A_358 : vector<16xi32>
        %reduce_max3A_360 = tpu.scan <max>, %reduce_max3A_359 masked %reduce_max3A_356 : vector<16xi32>, vector<16xi1> -> vector<16xi32>
        %reduce_max3A_361 = arith.xori %reduce_max3A_360, %reduce_max3A_358 : vector<16xi32>
        %reduce_max3A_362 = vector.extract %reduce_max3A_361[15] : i32 from vector<16xi32>
        %lt3A_363 = arith.constant 64 : i32
        %lt3A_364 = arith.cmpi slt, %scan3A_348, %lt3A_363 : i32
        %jit3A_365 = arith.constant 0 : i32
        %select_n3A_366 = arith.select %lt3A_364, %reduce_max3A_362, %jit3A_365 : i32
        %add3A_367 = arith.addi %scan3A_348, %select_n3A_366 : i32
        scf.yield %add3A_367 : i32
      }
      %scan3A_34 = arith.constant 49 : i32
      %scan3A_35 = arith.constant 0 : i32
      %scan3A_36 = arith.constant 49 : i32
      %scan3A_37 = arith.addi %scan3A_35, %scan3A_36 : i32
      %scan3A_38 = arith.constant 1 : i32
      %scan3A_39 = scf.for %scan3A_347 = %scan3A_35 to %scan3A_37 step %scan3A_38 iter_args(%scan3A_348 = %scan3A_33) -> (i32)  : i32 {
        %mul3A_349 = arith.constant 16 : i32
        %mul3A_350 = arith.muli %scan3A_347, %mul3A_349 : i32
        %get3A_351 = arith.index_cast %mul3A_350 : i32 to index
        %get3A_352 = tpu.vector_load %arg10[%get3A_351] {strides = array<i32>} : memref<784xi32, #tpu.memory_space<vmem>>, vector<16xi32>,
        %eq3A = vector.broadcast %scan3A_26 : i32 to vector<16xi32>
        %eq3A_353 = arith.cmpi eq, %get3A_352, %eq3A : vector<16xi32>
        %lt3A = arith.constant 64 : i32
        %lt3A_354 = arith.cmpi slt, %scan3A_348, %lt3A : i32
        %convert_element_type3A = arith.extui %lt3A_354 : i1 to i32
        %cond3A = arith.constant 0 : i32
        %cond3A_355 = arith.cmpi ne, %convert_element_type3A, %cond3A : i32
        scf.if %cond3A_355 {
          %swap3A_368 = arith.index_cast %scan3A_348 : i32 to index
          %swap3A_369 = tpu.vector_load %arg16[%swap3A_368] masked %eq3A_353 {strides = array<i32>} : memref<96xi32, #tpu.memory_space<vmem>>, vector<16xi32>, vector<16xi1>
          tpu.vector_store %arg16[%swap3A_368], %get3A_352 masked %eq3A_353 {strides = array<i32>} : memref<96xi32, #tpu.memory_space<vmem>>, vector<16xi32>, vector<16xi1>
          %mul3A_370 = arith.constant 16 : i32
          %mul3A_371 = arith.muli %scan3A_347, %mul3A_370 : i32
          %add3A_372 = vector.broadcast %mul3A_371 : i32 to vector<16xi32>
          %add3A_373 = arith.addi %add3A_372, %iota3A : vector<16xi32>
          %swap3A_374 = arith.index_cast %scan3A_348 : i32 to index
          %swap3A_375 = tpu.vector_load %arg11[%swap3A_374] masked %eq3A_353 {strides = array<i32>} : memref<96xi32, #tpu.memory_space<vmem>>, vector<16xi32>, vector<16xi1>
          tpu.vector_store %arg11[%swap3A_374], %add3A_373 masked %eq3A_353 {strides = array<i32>} : memref<96xi32, #tpu.memory_space<vmem>>, vector<16xi32>, vector<16xi1>
        } else {
        }
        %all_reduce_population_count3A = tpu.all_reduce %eq3A_353 {dim = 0 : i64, kind = #tpu.reduction_kind<sum>} : vector<16xi1> -> vector<16xi32>
        %reduce_max3A = arith.constant true
        %reduce_max3A_356 = vector.broadcast %reduce_max3A : i1 to vector<16xi1>
        %reduce_max3A_357 = arith.constant -2147483648 : i32
        %reduce_max3A_358 = vector.broadcast %reduce_max3A_357 : i32 to vector<16xi32>
        %reduce_max3A_359 = arith.xori %all_reduce_population_count3A, %reduce_max3A_358 : vector<16xi32>
        %reduce_max3A_360 = tpu.scan <max>, %reduce_max3A_359 masked %reduce_max3A_356 : vector<16xi32>, vector<16xi1> -> vector<16xi32>
        %reduce_max3A_361 = arith.xori %reduce_max3A_360, %reduce_max3A_358 : vector<16xi32>
        %reduce_max3A_362 = vector.extract %reduce_max3A_361[15] : i32 from vector<16xi32>
        %lt3A_363 = arith.constant 64 : i32
        %lt3A_364 = arith.cmpi slt, %scan3A_348, %lt3A_363 : i32
        %jit3A_365 = arith.constant 0 : i32
        %select_n3A_366 = arith.select %lt3A_364, %reduce_max3A_362, %jit3A_365 : i32
        %add3A_367 = arith.addi %scan3A_348, %select_n3A_366 : i32
        scf.yield %add3A_367 : i32
      }
      %scan3A_40 = arith.constant 49 : i32
      %scan3A_41 = arith.constant 0 : i32
      %scan3A_42 = arith.constant 0 : i32
      %scan3A_43 = arith.constant 4 : i32
      %scan3A_44 = arith.addi %scan3A_42, %scan3A_43 : i32
      %scan3A_45 = arith.constant 1 : i32
      scf.for %scan3A_347 = %scan3A_42 to %scan3A_44 step %scan3A_45  : i32 {
        %mul3A_348 = arith.constant 16 : i32
        %mul3A_349 = arith.muli %scan3A_347, %mul3A_348 : i32
        %get3A_350 = arith.index_cast %mul3A_349 : i32 to index
        %get3A_351 = tpu.vector_load %arg11[%get3A_350] {strides = array<i32>} : memref<96xi32, #tpu.memory_space<vmem>>, vector<16xi32>,
        %mul3A_352 = arith.constant 784 : i32
        %mul3A_353 = arith.muli %add3A_14, %mul3A_352 : i32
        %add3A_354 = vector.broadcast %mul3A_353 : i32 to vector<16xi32>
        %add3A_355 = arith.addi %get3A_351, %add3A_354 : vector<16xi32>
        %mul3A_356 = arith.constant 16 : i32
        %mul3A_357 = arith.muli %scan3A_347, %mul3A_356 : i32
        %swap3A_358 = arith.index_cast %mul3A_357 : i32 to index
        %swap3A_359 = tpu.vector_load %arg12[%swap3A_358] {strides = array<i32>} : memref<64xi32, #tpu.memory_space<vmem>>, vector<16xi32>,
        tpu.vector_store %arg12[%swap3A_358], %add3A_355 {strides = array<i32>} : memref<64xi32, #tpu.memory_space<vmem>>, vector<16xi32>,
      }
      %scan3A_46 = arith.constant 4 : i32
      %dma_start3A = arith.constant 0 : i32
      %dma_start3A_47 = arith.constant 0 : i32
      %dma_start3A_48 = tpu.memref_slice %arg4[%dma_start3A, %dma_start3A_47] : memref<802816x128xf32, #tpu.memory_space<hbm>> -> memref<802816x128xf32, #tpu.memory_space<hbm>>
      tpu.enqueue_indirect_dma source(%dma_start3A_48 : memref<802816x128xf32, #tpu.memory_space<hbm>>) target(%arg13 : memref<64x128xf32, #tpu.memory_space<vmem>>) offsets(%arg12 : memref<64xi32, #tpu.memory_space<vmem>>) semaphore(%arg22 : memref<!tpu.dma_semaphore, #tpu.memory_space<semaphore_mem>>)
      %dma_wait3A = arith.constant 0 : i32
      %dma_wait3A_49 = arith.constant 0 : i32
      %dma_wait3A_50 = tpu.memref_slice %arg4[%dma_wait3A, %dma_wait3A_49] : memref<802816x128xf32, #tpu.memory_space<hbm>> -> memref<802816x128xf32, #tpu.memory_space<hbm>>
      tpu.wait_indirect_dma semaphore(%arg22 : memref<!tpu.dma_semaphore, #tpu.memory_space<semaphore_mem>>) src(%dma_wait3A_50 : memref<802816x128xf32, #tpu.memory_space<hbm>>) dst(%arg13 : memref<64x128xf32, #tpu.memory_space<vmem>>)
      %scan3A_51 = arith.constant 0 : i32
      %scan3A_52 = arith.constant 0 : i32
      %scan3A_53 = arith.constant 64 : i32
      %scan3A_54 = arith.addi %scan3A_52, %scan3A_53 : i32
      %scan3A_55 = arith.constant 1 : i32
      %scan3A_56 = scf.for %scan3A_347 = %scan3A_52 to %scan3A_54 step %scan3A_55 iter_args(%scan3A_348 = %scan3A_51) -> (i32)  : i32 {
        %broadcast_in_dim3A_349 = vector.broadcast %scan3A_347 : i32 to vector<16xi32>
        %gather3A = tpu.vector_load_idx %arg11[%broadcast_in_dim3A_349] : memref<96xi32, #tpu.memory_space<vmem>>[vector<16xi32>], vector<16xi32>,
        %get3A_350 = arith.index_cast %scan3A_347 : i32 to index
        %get3A_351 = arith.constant 0 : index
        %get3A_352 = tpu.vector_load %arg13[%get3A_350, %get3A_351] {strides = array<i32>} : memref<64x128xf32, #tpu.memory_space<vmem>>, vector<16xf32>,
        %bitcast3A_353 = vector.bitcast %get3A_352 : vector<16xf32> to vector<16xi32>
        %shift_right_arithmetic3A_354 = arith.constant 31 : i32
        %shift_right_arithmetic3A_355 = vector.broadcast %shift_right_arithmetic3A_354 : i32 to vector<16xi32>
        %shift_right_arithmetic3A_356 = arith.shrsi %bitcast3A_353, %shift_right_arithmetic3A_355 : vector<16xi32>
        %and3A_357 = vector.broadcast %scan3A : i32 to vector<16xi32>
        %and3A_358 = arith.andi %shift_right_arithmetic3A_356, %and3A_357 : vector<16xi32>
        %xor3A_359 = arith.xori %bitcast3A_353, %and3A_358 : vector<16xi32>
        %bitcast3A_360 = vector.bitcast %xor3A_359 : vector<16xi32> to vector<16xi32>
        %xor3A_361 = arith.constant -2147483648 : i32
        %xor3A_362 = vector.broadcast %xor3A_361 : i32 to vector<16xi32>
        %xor3A_363 = arith.xori %bitcast3A_360, %xor3A_362 : vector<16xi32>
        %ge3A = vector.broadcast %scan3A_26 : i32 to vector<16xi32>
        %ge3A_364 = arith.cmpi uge, %xor3A_363, %ge3A : vector<16xi32>
        %mul3A_365 = arith.constant 128 : i32
        %mul3A_366 = vector.broadcast %mul3A_365 : i32 to vector<16xi32>
        %mul3A_367 = arith.muli %gather3A, %mul3A_366 : vector<16xi32>
        %add3A_368 = arith.constant 0 : i32
        %add3A_369 = vector.broadcast %add3A_368 : i32 to vector<16xi32>
        %add3A_370 = arith.addi %add3A_369, %iota3A : vector<16xi32>
        %add3A_371 = arith.addi %mul3A_367, %add3A_370 : vector<16xi32>
        %swap3A_372 = arith.index_cast %scan3A_348 : i32 to index
        %swap3A_373 = tpu.vector_load %arg14[%swap3A_372] masked %ge3A_364 {strides = array<i32>} : memref<8208xi32, #tpu.memory_space<vmem>>, vector<16xi32>, vector<16xi1>
        tpu.vector_store %arg14[%swap3A_372], %xor3A_363 masked %ge3A_364 {strides = array<i32>} : memref<8208xi32, #tpu.memory_space<vmem>>, vector<16xi32>, vector<16xi1>
        %swap3A_374 = arith.index_cast %scan3A_348 : i32 to index
        %swap3A_375 = tpu.vector_load %arg15[%swap3A_374] masked %ge3A_364 {strides = array<i32>} : memref<8208xi32, #tpu.memory_space<vmem>>, vector<16xi32>, vector<16xi1>
        tpu.vector_store %arg15[%swap3A_374], %add3A_371 masked %ge3A_364 {strides = array<i32>} : memref<8208xi32, #tpu.memory_space<vmem>>, vector<16xi32>, vector<16xi1>
        %all_reduce_population_count3A = tpu.all_reduce %ge3A_364 {dim = 0 : i64, kind = #tpu.reduction_kind<sum>} : vector<16xi1> -> vector<16xi32>
        %reduce_max3A = arith.constant true
        %reduce_max3A_376 = vector.broadcast %reduce_max3A : i1 to vector<16xi1>
        %reduce_max3A_377 = arith.constant -2147483648 : i32
        %reduce_max3A_378 = vector.broadcast %reduce_max3A_377 : i32 to vector<16xi32>
        %reduce_max3A_379 = arith.xori %all_reduce_population_count3A, %reduce_max3A_378 : vector<16xi32>
        %reduce_max3A_380 = tpu.scan <max>, %reduce_max3A_379 masked %reduce_max3A_376 : vector<16xi32>, vector<16xi1> -> vector<16xi32>
        %reduce_max3A_381 = arith.xori %reduce_max3A_380, %reduce_max3A_378 : vector<16xi32>
        %reduce_max3A_382 = vector.extract %reduce_max3A_381[15] : i32 from vector<16xi32>
        %add3A_383 = arith.addi %scan3A_348, %reduce_max3A_382 : i32
        %get3A_384 = arith.index_cast %scan3A_347 : i32 to index
        %get3A_385 = arith.constant 16 : index
        %get3A_386 = tpu.vector_load %arg13[%get3A_384, %get3A_385] {strides = array<i32>} : memref<64x128xf32, #tpu.memory_space<vmem>>, vector<16xf32>,
        %bitcast3A_387 = vector.bitcast %get3A_386 : vector<16xf32> to vector<16xi32>
        %shift_right_arithmetic3A_388 = arith.constant 31 : i32
        %shift_right_arithmetic3A_389 = vector.broadcast %shift_right_arithmetic3A_388 : i32 to vector<16xi32>
        %shift_right_arithmetic3A_390 = arith.shrsi %bitcast3A_387, %shift_right_arithmetic3A_389 : vector<16xi32>
        %and3A_391 = vector.broadcast %scan3A : i32 to vector<16xi32>
        %and3A_392 = arith.andi %shift_right_arithmetic3A_390, %and3A_391 : vector<16xi32>
        %xor3A_393 = arith.xori %bitcast3A_387, %and3A_392 : vector<16xi32>
        %bitcast3A_394 = vector.bitcast %xor3A_393 : vector<16xi32> to vector<16xi32>
        %xor3A_395 = arith.constant -2147483648 : i32
        %xor3A_396 = vector.broadcast %xor3A_395 : i32 to vector<16xi32>
        %xor3A_397 = arith.xori %bitcast3A_394, %xor3A_396 : vector<16xi32>
        %ge3A_398 = vector.broadcast %scan3A_26 : i32 to vector<16xi32>
        %ge3A_399 = arith.cmpi uge, %xor3A_397, %ge3A_398 : vector<16xi32>
        %mul3A_400 = arith.constant 128 : i32
        %mul3A_401 = vector.broadcast %mul3A_400 : i32 to vector<16xi32>
        %mul3A_402 = arith.muli %gather3A, %mul3A_401 : vector<16xi32>
        %add3A_403 = arith.constant 16 : i32
        %add3A_404 = vector.broadcast %add3A_403 : i32 to vector<16xi32>
        %add3A_405 = arith.addi %add3A_404, %iota3A : vector<16xi32>
        %add3A_406 = arith.addi %mul3A_402, %add3A_405 : vector<16xi32>
        %swap3A_407 = arith.index_cast %add3A_383 : i32 to index
        %swap3A_408 = tpu.vector_load %arg14[%swap3A_407] masked %ge3A_399 {strides = array<i32>} : memref<8208xi32, #tpu.memory_space<vmem>>, vector<16xi32>, vector<16xi1>
        tpu.vector_store %arg14[%swap3A_407], %xor3A_397 masked %ge3A_399 {strides = array<i32>} : memref<8208xi32, #tpu.memory_space<vmem>>, vector<16xi32>, vector<16xi1>
        %swap3A_409 = arith.index_cast %add3A_383 : i32 to index
        %swap3A_410 = tpu.vector_load %arg15[%swap3A_409] masked %ge3A_399 {strides = array<i32>} : memref<8208xi32, #tpu.memory_space<vmem>>, vector<16xi32>, vector<16xi1>
        tpu.vector_store %arg15[%swap3A_409], %add3A_406 masked %ge3A_399 {strides = array<i32>} : memref<8208xi32, #tpu.memory_space<vmem>>, vector<16xi32>, vector<16xi1>
        %all_reduce_population_count3A_411 = tpu.all_reduce %ge3A_399 {dim = 0 : i64, kind = #tpu.reduction_kind<sum>} : vector<16xi1> -> vector<16xi32>
        %reduce_max3A_412 = arith.constant true
        %reduce_max3A_413 = vector.broadcast %reduce_max3A_412 : i1 to vector<16xi1>
        %reduce_max3A_414 = arith.constant -2147483648 : i32
        %reduce_max3A_415 = vector.broadcast %reduce_max3A_414 : i32 to vector<16xi32>
        %reduce_max3A_416 = arith.xori %all_reduce_population_count3A_411, %reduce_max3A_415 : vector<16xi32>
        %reduce_max3A_417 = tpu.scan <max>, %reduce_max3A_416 masked %reduce_max3A_413 : vector<16xi32>, vector<16xi1> -> vector<16xi32>
        %reduce_max3A_418 = arith.xori %reduce_max3A_417, %reduce_max3A_415 : vector<16xi32>
        %reduce_max3A_419 = vector.extract %reduce_max3A_418[15] : i32 from vector<16xi32>
        %add3A_420 = arith.addi %add3A_383, %reduce_max3A_419 : i32
        %get3A_421 = arith.index_cast %scan3A_347 : i32 to index
        %get3A_422 = arith.constant 32 : index
        %get3A_423 = tpu.vector_load %arg13[%get3A_421, %get3A_422] {strides = array<i32>} : memref<64x128xf32, #tpu.memory_space<vmem>>, vector<16xf32>,
        %bitcast3A_424 = vector.bitcast %get3A_423 : vector<16xf32> to vector<16xi32>
        %shift_right_arithmetic3A_425 = arith.constant 31 : i32
        %shift_right_arithmetic3A_426 = vector.broadcast %shift_right_arithmetic3A_425 : i32 to vector<16xi32>
        %shift_right_arithmetic3A_427 = arith.shrsi %bitcast3A_424, %shift_right_arithmetic3A_426 : vector<16xi32>
        %and3A_428 = vector.broadcast %scan3A : i32 to vector<16xi32>
        %and3A_429 = arith.andi %shift_right_arithmetic3A_427, %and3A_428 : vector<16xi32>
        %xor3A_430 = arith.xori %bitcast3A_424, %and3A_429 : vector<16xi32>
        %bitcast3A_431 = vector.bitcast %xor3A_430 : vector<16xi32> to vector<16xi32>
        %xor3A_432 = arith.constant -2147483648 : i32
        %xor3A_433 = vector.broadcast %xor3A_432 : i32 to vector<16xi32>
        %xor3A_434 = arith.xori %bitcast3A_431, %xor3A_433 : vector<16xi32>
        %ge3A_435 = vector.broadcast %scan3A_26 : i32 to vector<16xi32>
        %ge3A_436 = arith.cmpi uge, %xor3A_434, %ge3A_435 : vector<16xi32>
        %mul3A_437 = arith.constant 128 : i32
        %mul3A_438 = vector.broadcast %mul3A_437 : i32 to vector<16xi32>
        %mul3A_439 = arith.muli %gather3A, %mul3A_438 : vector<16xi32>
        %add3A_440 = arith.constant 32 : i32
        %add3A_441 = vector.broadcast %add3A_440 : i32 to vector<16xi32>
        %add3A_442 = arith.addi %add3A_441, %iota3A : vector<16xi32>
        %add3A_443 = arith.addi %mul3A_439, %add3A_442 : vector<16xi32>
        %swap3A_444 = arith.index_cast %add3A_420 : i32 to index
        %swap3A_445 = tpu.vector_load %arg14[%swap3A_444] masked %ge3A_436 {strides = array<i32>} : memref<8208xi32, #tpu.memory_space<vmem>>, vector<16xi32>, vector<16xi1>
        tpu.vector_store %arg14[%swap3A_444], %xor3A_434 masked %ge3A_436 {strides = array<i32>} : memref<8208xi32, #tpu.memory_space<vmem>>, vector<16xi32>, vector<16xi1>
        %swap3A_446 = arith.index_cast %add3A_420 : i32 to index
        %swap3A_447 = tpu.vector_load %arg15[%swap3A_446] masked %ge3A_436 {strides = array<i32>} : memref<8208xi32, #tpu.memory_space<vmem>>, vector<16xi32>, vector<16xi1>
        tpu.vector_store %arg15[%swap3A_446], %add3A_443 masked %ge3A_436 {strides = array<i32>} : memref<8208xi32, #tpu.memory_space<vmem>>, vector<16xi32>, vector<16xi1>
        %all_reduce_population_count3A_448 = tpu.all_reduce %ge3A_436 {dim = 0 : i64, kind = #tpu.reduction_kind<sum>} : vector<16xi1> -> vector<16xi32>
        %reduce_max3A_449 = arith.constant true
        %reduce_max3A_450 = vector.broadcast %reduce_max3A_449 : i1 to vector<16xi1>
        %reduce_max3A_451 = arith.constant -2147483648 : i32
        %reduce_max3A_452 = vector.broadcast %reduce_max3A_451 : i32 to vector<16xi32>
        %reduce_max3A_453 = arith.xori %all_reduce_population_count3A_448, %reduce_max3A_452 : vector<16xi32>
        %reduce_max3A_454 = tpu.scan <max>, %reduce_max3A_453 masked %reduce_max3A_450 : vector<16xi32>, vector<16xi1> -> vector<16xi32>
        %reduce_max3A_455 = arith.xori %reduce_max3A_454, %reduce_max3A_452 : vector<16xi32>
        %reduce_max3A_456 = vector.extract %reduce_max3A_455[15] : i32 from vector<16xi32>
        %add3A_457 = arith.addi %add3A_420, %reduce_max3A_456 : i32
        %get3A_458 = arith.index_cast %scan3A_347 : i32 to index
        %get3A_459 = arith.constant 48 : index
        %get3A_460 = tpu.vector_load %arg13[%get3A_458, %get3A_459] {strides = array<i32>} : memref<64x128xf32, #tpu.memory_space<vmem>>, vector<16xf32>,
        %bitcast3A_461 = vector.bitcast %get3A_460 : vector<16xf32> to vector<16xi32>
        %shift_right_arithmetic3A_462 = arith.constant 31 : i32
        %shift_right_arithmetic3A_463 = vector.broadcast %shift_right_arithmetic3A_462 : i32 to vector<16xi32>
        %shift_right_arithmetic3A_464 = arith.shrsi %bitcast3A_461, %shift_right_arithmetic3A_463 : vector<16xi32>
        %and3A_465 = vector.broadcast %scan3A : i32 to vector<16xi32>
        %and3A_466 = arith.andi %shift_right_arithmetic3A_464, %and3A_465 : vector<16xi32>
        %xor3A_467 = arith.xori %bitcast3A_461, %and3A_466 : vector<16xi32>
        %bitcast3A_468 = vector.bitcast %xor3A_467 : vector<16xi32> to vector<16xi32>
        %xor3A_469 = arith.constant -2147483648 : i32
        %xor3A_470 = vector.broadcast %xor3A_469 : i32 to vector<16xi32>
        %xor3A_471 = arith.xori %bitcast3A_468, %xor3A_470 : vector<16xi32>
        %ge3A_472 = vector.broadcast %scan3A_26 : i32 to vector<16xi32>
        %ge3A_473 = arith.cmpi uge, %xor3A_471, %ge3A_472 : vector<16xi32>
        %mul3A_474 = arith.constant 128 : i32
        %mul3A_475 = vector.broadcast %mul3A_474 : i32 to vector<16xi32>
        %mul3A_476 = arith.muli %gather3A, %mul3A_475 : vector<16xi32>
        %add3A_477 = arith.constant 48 : i32
        %add3A_478 = vector.broadcast %add3A_477 : i32 to vector<16xi32>
        %add3A_479 = arith.addi %add3A_478, %iota3A : vector<16xi32>
        %add3A_480 = arith.addi %mul3A_476, %add3A_479 : vector<16xi32>
        %swap3A_481 = arith.index_cast %add3A_457 : i32 to index
        %swap3A_482 = tpu.vector_load %arg14[%swap3A_481] masked %ge3A_473 {strides = array<i32>} : memref<8208xi32, #tpu.memory_space<vmem>>, vector<16xi32>, vector<16xi1>
        tpu.vector_store %arg14[%swap3A_481], %xor3A_471 masked %ge3A_473 {strides = array<i32>} : memref<8208xi32, #tpu.memory_space<vmem>>, vector<16xi32>, vector<16xi1>
        %swap3A_483 = arith.index_cast %add3A_457 : i32 to index
        %swap3A_484 = tpu.vector_load %arg15[%swap3A_483] masked %ge3A_473 {strides = array<i32>} : memref<8208xi32, #tpu.memory_space<vmem>>, vector<16xi32>, vector<16xi1>
        tpu.vector_store %arg15[%swap3A_483], %add3A_480 masked %ge3A_473 {strides = array<i32>} : memref<8208xi32, #tpu.memory_space<vmem>>, vector<16xi32>, vector<16xi1>
        %all_reduce_population_count3A_485 = tpu.all_reduce %ge3A_473 {dim = 0 : i64, kind = #tpu.reduction_kind<sum>} : vector<16xi1> -> vector<16xi32>
        %reduce_max3A_486 = arith.constant true
        %reduce_max3A_487 = vector.broadcast %reduce_max3A_486 : i1 to vector<16xi1>
        %reduce_max3A_488 = arith.constant -2147483648 : i32
        %reduce_max3A_489 = vector.broadcast %reduce_max3A_488 : i32 to vector<16xi32>
        %reduce_max3A_490 = arith.xori %all_reduce_population_count3A_485, %reduce_max3A_489 : vector<16xi32>
        %reduce_max3A_491 = tpu.scan <max>, %reduce_max3A_490 masked %reduce_max3A_487 : vector<16xi32>, vector<16xi1> -> vector<16xi32>
        %reduce_max3A_492 = arith.xori %reduce_max3A_491, %reduce_max3A_489 : vector<16xi32>
        %reduce_max3A_493 = vector.extract %reduce_max3A_492[15] : i32 from vector<16xi32>
        %add3A_494 = arith.addi %add3A_457, %reduce_max3A_493 : i32
        %get3A_495 = arith.index_cast %scan3A_347 : i32 to index
        %get3A_496 = arith.constant 64 : index
        %get3A_497 = tpu.vector_load %arg13[%get3A_495, %get3A_496] {strides = array<i32>} : memref<64x128xf32, #tpu.memory_space<vmem>>, vector<16xf32>,
        %bitcast3A_498 = vector.bitcast %get3A_497 : vector<16xf32> to vector<16xi32>
        %shift_right_arithmetic3A_499 = arith.constant 31 : i32
        %shift_right_arithmetic3A_500 = vector.broadcast %shift_right_arithmetic3A_499 : i32 to vector<16xi32>
        %shift_right_arithmetic3A_501 = arith.shrsi %bitcast3A_498, %shift_right_arithmetic3A_500 : vector<16xi32>
        %and3A_502 = vector.broadcast %scan3A : i32 to vector<16xi32>
        %and3A_503 = arith.andi %shift_right_arithmetic3A_501, %and3A_502 : vector<16xi32>
        %xor3A_504 = arith.xori %bitcast3A_498, %and3A_503 : vector<16xi32>
        %bitcast3A_505 = vector.bitcast %xor3A_504 : vector<16xi32> to vector<16xi32>
        %xor3A_506 = arith.constant -2147483648 : i32
        %xor3A_507 = vector.broadcast %xor3A_506 : i32 to vector<16xi32>
        %xor3A_508 = arith.xori %bitcast3A_505, %xor3A_507 : vector<16xi32>
        %ge3A_509 = vector.broadcast %scan3A_26 : i32 to vector<16xi32>
        %ge3A_510 = arith.cmpi uge, %xor3A_508, %ge3A_509 : vector<16xi32>
        %mul3A_511 = arith.constant 128 : i32
        %mul3A_512 = vector.broadcast %mul3A_511 : i32 to vector<16xi32>
        %mul3A_513 = arith.muli %gather3A, %mul3A_512 : vector<16xi32>
        %add3A_514 = arith.constant 64 : i32
        %add3A_515 = vector.broadcast %add3A_514 : i32 to vector<16xi32>
        %add3A_516 = arith.addi %add3A_515, %iota3A : vector<16xi32>
        %add3A_517 = arith.addi %mul3A_513, %add3A_516 : vector<16xi32>
        %swap3A_518 = arith.index_cast %add3A_494 : i32 to index
        %swap3A_519 = tpu.vector_load %arg14[%swap3A_518] masked %ge3A_510 {strides = array<i32>} : memref<8208xi32, #tpu.memory_space<vmem>>, vector<16xi32>, vector<16xi1>
        tpu.vector_store %arg14[%swap3A_518], %xor3A_508 masked %ge3A_510 {strides = array<i32>} : memref<8208xi32, #tpu.memory_space<vmem>>, vector<16xi32>, vector<16xi1>
        %swap3A_520 = arith.index_cast %add3A_494 : i32 to index
        %swap3A_521 = tpu.vector_load %arg15[%swap3A_520] masked %ge3A_510 {strides = array<i32>} : memref<8208xi32, #tpu.memory_space<vmem>>, vector<16xi32>, vector<16xi1>
        tpu.vector_store %arg15[%swap3A_520], %add3A_517 masked %ge3A_510 {strides = array<i32>} : memref<8208xi32, #tpu.memory_space<vmem>>, vector<16xi32>, vector<16xi1>
        %all_reduce_population_count3A_522 = tpu.all_reduce %ge3A_510 {dim = 0 : i64, kind = #tpu.reduction_kind<sum>} : vector<16xi1> -> vector<16xi32>
        %reduce_max3A_523 = arith.constant true
        %reduce_max3A_524 = vector.broadcast %reduce_max3A_523 : i1 to vector<16xi1>
        %reduce_max3A_525 = arith.constant -2147483648 : i32
        %reduce_max3A_526 = vector.broadcast %reduce_max3A_525 : i32 to vector<16xi32>
        %reduce_max3A_527 = arith.xori %all_reduce_population_count3A_522, %reduce_max3A_526 : vector<16xi32>
        %reduce_max3A_528 = tpu.scan <max>, %reduce_max3A_527 masked %reduce_max3A_524 : vector<16xi32>, vector<16xi1> -> vector<16xi32>
        %reduce_max3A_529 = arith.xori %reduce_max3A_528, %reduce_max3A_526 : vector<16xi32>
        %reduce_max3A_530 = vector.extract %reduce_max3A_529[15] : i32 from vector<16xi32>
        %add3A_531 = arith.addi %add3A_494, %reduce_max3A_530 : i32
        %get3A_532 = arith.index_cast %scan3A_347 : i32 to index
        %get3A_533 = arith.constant 80 : index
        %get3A_534 = tpu.vector_load %arg13[%get3A_532, %get3A_533] {strides = array<i32>} : memref<64x128xf32, #tpu.memory_space<vmem>>, vector<16xf32>,
        %bitcast3A_535 = vector.bitcast %get3A_534 : vector<16xf32> to vector<16xi32>
        %shift_right_arithmetic3A_536 = arith.constant 31 : i32
        %shift_right_arithmetic3A_537 = vector.broadcast %shift_right_arithmetic3A_536 : i32 to vector<16xi32>
        %shift_right_arithmetic3A_538 = arith.shrsi %bitcast3A_535, %shift_right_arithmetic3A_537 : vector<16xi32>
        %and3A_539 = vector.broadcast %scan3A : i32 to vector<16xi32>
        %and3A_540 = arith.andi %shift_right_arithmetic3A_538, %and3A_539 : vector<16xi32>
        %xor3A_541 = arith.xori %bitcast3A_535, %and3A_540 : vector<16xi32>
        %bitcast3A_542 = vector.bitcast %xor3A_541 : vector<16xi32> to vector<16xi32>
        %xor3A_543 = arith.constant -2147483648 : i32
        %xor3A_544 = vector.broadcast %xor3A_543 : i32 to vector<16xi32>
        %xor3A_545 = arith.xori %bitcast3A_542, %xor3A_544 : vector<16xi32>
        %ge3A_546 = vector.broadcast %scan3A_26 : i32 to vector<16xi32>
        %ge3A_547 = arith.cmpi uge, %xor3A_545, %ge3A_546 : vector<16xi32>
        %mul3A_548 = arith.constant 128 : i32
        %mul3A_549 = vector.broadcast %mul3A_548 : i32 to vector<16xi32>
        %mul3A_550 = arith.muli %gather3A, %mul3A_549 : vector<16xi32>
        %add3A_551 = arith.constant 80 : i32
        %add3A_552 = vector.broadcast %add3A_551 : i32 to vector<16xi32>
        %add3A_553 = arith.addi %add3A_552, %iota3A : vector<16xi32>
        %add3A_554 = arith.addi %mul3A_550, %add3A_553 : vector<16xi32>
        %swap3A_555 = arith.index_cast %add3A_531 : i32 to index
        %swap3A_556 = tpu.vector_load %arg14[%swap3A_555] masked %ge3A_547 {strides = array<i32>} : memref<8208xi32, #tpu.memory_space<vmem>>, vector<16xi32>, vector<16xi1>
        tpu.vector_store %arg14[%swap3A_555], %xor3A_545 masked %ge3A_547 {strides = array<i32>} : memref<8208xi32, #tpu.memory_space<vmem>>, vector<16xi32>, vector<16xi1>
        %swap3A_557 = arith.index_cast %add3A_531 : i32 to index
        %swap3A_558 = tpu.vector_load %arg15[%swap3A_557] masked %ge3A_547 {strides = array<i32>} : memref<8208xi32, #tpu.memory_space<vmem>>, vector<16xi32>, vector<16xi1>
        tpu.vector_store %arg15[%swap3A_557], %add3A_554 masked %ge3A_547 {strides = array<i32>} : memref<8208xi32, #tpu.memory_space<vmem>>, vector<16xi32>, vector<16xi1>
        %all_reduce_population_count3A_559 = tpu.all_reduce %ge3A_547 {dim = 0 : i64, kind = #tpu.reduction_kind<sum>} : vector<16xi1> -> vector<16xi32>
        %reduce_max3A_560 = arith.constant true
        %reduce_max3A_561 = vector.broadcast %reduce_max3A_560 : i1 to vector<16xi1>
        %reduce_max3A_562 = arith.constant -2147483648 : i32
        %reduce_max3A_563 = vector.broadcast %reduce_max3A_562 : i32 to vector<16xi32>
        %reduce_max3A_564 = arith.xori %all_reduce_population_count3A_559, %reduce_max3A_563 : vector<16xi32>
        %reduce_max3A_565 = tpu.scan <max>, %reduce_max3A_564 masked %reduce_max3A_561 : vector<16xi32>, vector<16xi1> -> vector<16xi32>
        %reduce_max3A_566 = arith.xori %reduce_max3A_565, %reduce_max3A_563 : vector<16xi32>
        %reduce_max3A_567 = vector.extract %reduce_max3A_566[15] : i32 from vector<16xi32>
        %add3A_568 = arith.addi %add3A_531, %reduce_max3A_567 : i32
        %get3A_569 = arith.index_cast %scan3A_347 : i32 to index
        %get3A_570 = arith.constant 96 : index
        %get3A_571 = tpu.vector_load %arg13[%get3A_569, %get3A_570] {strides = array<i32>} : memref<64x128xf32, #tpu.memory_space<vmem>>, vector<16xf32>,
        %bitcast3A_572 = vector.bitcast %get3A_571 : vector<16xf32> to vector<16xi32>
        %shift_right_arithmetic3A_573 = arith.constant 31 : i32
        %shift_right_arithmetic3A_574 = vector.broadcast %shift_right_arithmetic3A_573 : i32 to vector<16xi32>
        %shift_right_arithmetic3A_575 = arith.shrsi %bitcast3A_572, %shift_right_arithmetic3A_574 : vector<16xi32>
        %and3A_576 = vector.broadcast %scan3A : i32 to vector<16xi32>
        %and3A_577 = arith.andi %shift_right_arithmetic3A_575, %and3A_576 : vector<16xi32>
        %xor3A_578 = arith.xori %bitcast3A_572, %and3A_577 : vector<16xi32>
        %bitcast3A_579 = vector.bitcast %xor3A_578 : vector<16xi32> to vector<16xi32>
        %xor3A_580 = arith.constant -2147483648 : i32
        %xor3A_581 = vector.broadcast %xor3A_580 : i32 to vector<16xi32>
        %xor3A_582 = arith.xori %bitcast3A_579, %xor3A_581 : vector<16xi32>
        %ge3A_583 = vector.broadcast %scan3A_26 : i32 to vector<16xi32>
        %ge3A_584 = arith.cmpi uge, %xor3A_582, %ge3A_583 : vector<16xi32>
        %mul3A_585 = arith.constant 128 : i32
        %mul3A_586 = vector.broadcast %mul3A_585 : i32 to vector<16xi32>
        %mul3A_587 = arith.muli %gather3A, %mul3A_586 : vector<16xi32>
        %add3A_588 = arith.constant 96 : i32
        %add3A_589 = vector.broadcast %add3A_588 : i32 to vector<16xi32>
        %add3A_590 = arith.addi %add3A_589, %iota3A : vector<16xi32>
        %add3A_591 = arith.addi %mul3A_587, %add3A_590 : vector<16xi32>
        %swap3A_592 = arith.index_cast %add3A_568 : i32 to index
        %swap3A_593 = tpu.vector_load %arg14[%swap3A_592] masked %ge3A_584 {strides = array<i32>} : memref<8208xi32, #tpu.memory_space<vmem>>, vector<16xi32>, vector<16xi1>
        tpu.vector_store %arg14[%swap3A_592], %xor3A_582 masked %ge3A_584 {strides = array<i32>} : memref<8208xi32, #tpu.memory_space<vmem>>, vector<16xi32>, vector<16xi1>
        %swap3A_594 = arith.index_cast %add3A_568 : i32 to index
        %swap3A_595 = tpu.vector_load %arg15[%swap3A_594] masked %ge3A_584 {strides = array<i32>} : memref<8208xi32, #tpu.memory_space<vmem>>, vector<16xi32>, vector<16xi1>
        tpu.vector_store %arg15[%swap3A_594], %add3A_591 masked %ge3A_584 {strides = array<i32>} : memref<8208xi32, #tpu.memory_space<vmem>>, vector<16xi32>, vector<16xi1>
        %all_reduce_population_count3A_596 = tpu.all_reduce %ge3A_584 {dim = 0 : i64, kind = #tpu.reduction_kind<sum>} : vector<16xi1> -> vector<16xi32>
        %reduce_max3A_597 = arith.constant true
        %reduce_max3A_598 = vector.broadcast %reduce_max3A_597 : i1 to vector<16xi1>
        %reduce_max3A_599 = arith.constant -2147483648 : i32
        %reduce_max3A_600 = vector.broadcast %reduce_max3A_599 : i32 to vector<16xi32>
        %reduce_max3A_601 = arith.xori %all_reduce_population_count3A_596, %reduce_max3A_600 : vector<16xi32>
        %reduce_max3A_602 = tpu.scan <max>, %reduce_max3A_601 masked %reduce_max3A_598 : vector<16xi32>, vector<16xi1> -> vector<16xi32>
        %reduce_max3A_603 = arith.xori %reduce_max3A_602, %reduce_max3A_600 : vector<16xi32>
        %reduce_max3A_604 = vector.extract %reduce_max3A_603[15] : i32 from vector<16xi32>
        %add3A_605 = arith.addi %add3A_568, %reduce_max3A_604 : i32
        %get3A_606 = arith.index_cast %scan3A_347 : i32 to index
        %get3A_607 = arith.constant 112 : index
        %get3A_608 = tpu.vector_load %arg13[%get3A_606, %get3A_607] {strides = array<i32>} : memref<64x128xf32, #tpu.memory_space<vmem>>, vector<16xf32>,
        %bitcast3A_609 = vector.bitcast %get3A_608 : vector<16xf32> to vector<16xi32>
        %shift_right_arithmetic3A_610 = arith.constant 31 : i32
        %shift_right_arithmetic3A_611 = vector.broadcast %shift_right_arithmetic3A_610 : i32 to vector<16xi32>
        %shift_right_arithmetic3A_612 = arith.shrsi %bitcast3A_609, %shift_right_arithmetic3A_611 : vector<16xi32>
        %and3A_613 = vector.broadcast %scan3A : i32 to vector<16xi32>
        %and3A_614 = arith.andi %shift_right_arithmetic3A_612, %and3A_613 : vector<16xi32>
        %xor3A_615 = arith.xori %bitcast3A_609, %and3A_614 : vector<16xi32>
        %bitcast3A_616 = vector.bitcast %xor3A_615 : vector<16xi32> to vector<16xi32>
        %xor3A_617 = arith.constant -2147483648 : i32
        %xor3A_618 = vector.broadcast %xor3A_617 : i32 to vector<16xi32>
        %xor3A_619 = arith.xori %bitcast3A_616, %xor3A_618 : vector<16xi32>
        %ge3A_620 = vector.broadcast %scan3A_26 : i32 to vector<16xi32>
        %ge3A_621 = arith.cmpi uge, %xor3A_619, %ge3A_620 : vector<16xi32>
        %mul3A_622 = arith.constant 128 : i32
        %mul3A_623 = vector.broadcast %mul3A_622 : i32 to vector<16xi32>
        %mul3A_624 = arith.muli %gather3A, %mul3A_623 : vector<16xi32>
        %add3A_625 = arith.constant 112 : i32
        %add3A_626 = vector.broadcast %add3A_625 : i32 to vector<16xi32>
        %add3A_627 = arith.addi %add3A_626, %iota3A : vector<16xi32>
        %add3A_628 = arith.addi %mul3A_624, %add3A_627 : vector<16xi32>
        %swap3A_629 = arith.index_cast %add3A_605 : i32 to index
        %swap3A_630 = tpu.vector_load %arg14[%swap3A_629] masked %ge3A_621 {strides = array<i32>} : memref<8208xi32, #tpu.memory_space<vmem>>, vector<16xi32>, vector<16xi1>
        tpu.vector_store %arg14[%swap3A_629], %xor3A_619 masked %ge3A_621 {strides = array<i32>} : memref<8208xi32, #tpu.memory_space<vmem>>, vector<16xi32>, vector<16xi1>
        %swap3A_631 = arith.index_cast %add3A_605 : i32 to index
        %swap3A_632 = tpu.vector_load %arg15[%swap3A_631] masked %ge3A_621 {strides = array<i32>} : memref<8208xi32, #tpu.memory_space<vmem>>, vector<16xi32>, vector<16xi1>
        tpu.vector_store %arg15[%swap3A_631], %add3A_628 masked %ge3A_621 {strides = array<i32>} : memref<8208xi32, #tpu.memory_space<vmem>>, vector<16xi32>, vector<16xi1>
        %all_reduce_population_count3A_633 = tpu.all_reduce %ge3A_621 {dim = 0 : i64, kind = #tpu.reduction_kind<sum>} : vector<16xi1> -> vector<16xi32>
        %reduce_max3A_634 = arith.constant true
        %reduce_max3A_635 = vector.broadcast %reduce_max3A_634 : i1 to vector<16xi1>
        %reduce_max3A_636 = arith.constant -2147483648 : i32
        %reduce_max3A_637 = vector.broadcast %reduce_max3A_636 : i32 to vector<16xi32>
        %reduce_max3A_638 = arith.xori %all_reduce_population_count3A_633, %reduce_max3A_637 : vector<16xi32>
        %reduce_max3A_639 = tpu.scan <max>, %reduce_max3A_638 masked %reduce_max3A_635 : vector<16xi32>, vector<16xi1> -> vector<16xi32>
        %reduce_max3A_640 = arith.xori %reduce_max3A_639, %reduce_max3A_637 : vector<16xi32>
        %reduce_max3A_641 = vector.extract %reduce_max3A_640[15] : i32 from vector<16xi32>
        %add3A_642 = arith.addi %add3A_605, %reduce_max3A_641 : i32
        scf.yield %add3A_642 : i32
      }
      %scan3A_57 = arith.constant 64 : i32
      %broadcast_in_dim3A = arith.constant 0 : i32
      %broadcast_in_dim3A_58 = vector.broadcast %broadcast_in_dim3A : i32 to vector<16xi32>
      %swap3A = arith.index_cast %scan3A_56 : i32 to index
      %swap3A_59 = tpu.vector_load %arg14[%swap3A] {strides = array<i32>} : memref<8208xi32, #tpu.memory_space<vmem>>, vector<16xi32>,
      tpu.vector_store %arg14[%swap3A], %broadcast_in_dim3A_58 {strides = array<i32>} : memref<8208xi32, #tpu.memory_space<vmem>>, vector<16xi32>,
      %add3A_60 = arith.constant 15 : i32
      %add3A_61 = arith.addi %scan3A_56, %add3A_60 : i32
      %jit3A = arith.constant 16 : i32
      %div3A = arith.divsi %add3A_61, %jit3A : i32
      %sign3A = arith.constant 0 : i32
      %sign3A_62 = arith.cmpi sgt, %add3A_61, %sign3A : i32
      %sign3A_63 = arith.extui %sign3A_62 : i1 to i32
      %sign3A_64 = arith.constant 0 : i32
      %sign3A_65 = arith.cmpi slt, %add3A_61, %sign3A_64 : i32
      %sign3A_66 = arith.extui %sign3A_65 : i1 to i32
      %sign3A_67 = arith.subi %sign3A_63, %sign3A_66 : i32
      %sign3A_68 = arith.constant 0 : i32
      %sign3A_69 = arith.cmpi sgt, %jit3A, %sign3A_68 : i32
      %sign3A_70 = arith.extui %sign3A_69 : i1 to i32
      %sign3A_71 = arith.constant 0 : i32
      %sign3A_72 = arith.cmpi slt, %jit3A, %sign3A_71 : i32
      %sign3A_73 = arith.extui %sign3A_72 : i1 to i32
      %sign3A_74 = arith.subi %sign3A_70, %sign3A_73 : i32
      %ne3A = arith.cmpi ne, %sign3A_67, %sign3A_74 : i32
      %rem3A = arith.remsi %add3A_61, %jit3A : i32
      %ne3A_75 = arith.constant 0 : i32
      %ne3A_76 = arith.cmpi ne, %rem3A, %ne3A_75 : i32
      %and3A = arith.andi %ne3A, %ne3A_76 : i1
      %sub3A = arith.constant 1 : i32
      %sub3A_77 = arith.subi %div3A, %sub3A : i32
      %select_n3A = arith.select %and3A, %sub3A_77, %div3A : i32
      %scan3A_78 = arith.constant 0 : i32
      %scan3A_79 = arith.constant 0 : i32
      %scan3A_80 = arith.constant 32 : i32
      %scan3A_81 = arith.addi %scan3A_79, %scan3A_80 : i32
      %scan3A_82 = arith.constant 1 : i32
      %scan3A_83 = scf.for %scan3A_347 = %scan3A_79 to %scan3A_81 step %scan3A_82 iter_args(%scan3A_348 = %scan3A_78) -> (i32)  : i32 {
        %sub3A_349 = arith.constant 31 : i32
        %sub3A_350 = arith.subi %sub3A_349, %scan3A_347 : i32
        %shift_left3A = arith.constant 1 : i32
        %shift_left3A_351 = arith.shli %shift_left3A, %sub3A_350 : i32
        %or3A = arith.ori %scan3A_348, %shift_left3A_351 : i32
        %broadcast_in_dim3A_352 = vector.broadcast %or3A : i32 to vector<16xi32>
        %broadcast_in_dim3A_353 = arith.constant 0 : i32
        %broadcast_in_dim3A_354 = vector.broadcast %broadcast_in_dim3A_353 : i32 to vector<16xi32>
        %while3A_355 = arith.constant 0 : i32
        %while3A_356 = arith.subi %select_n3A, %while3A_355 : i32
        %while3A_357 = arith.addi %while3A_355, %while3A_356 : i32
        %while3A_358 = arith.constant 1 : i32
        %while3A_359 = arith.divsi %while3A_356, %while3A_358 : i32
        %while3A_360 = arith.muli %while3A_359, %while3A_358 : i32
        %while3A_361 = arith.addi %while3A_355, %while3A_360 : i32
        %while3A_362 = arith.constant 1 : i32
        %while3A_363 = scf.for %while3A_371 = %while3A_355 to %while3A_361 step %while3A_362 iter_args(%while3A_372 = %broadcast_in_dim3A_354) -> (vector<16xi32>)  : i32 {
          %mul3A_373 = arith.constant 16 : i32
          %mul3A_374 = arith.muli %while3A_371, %mul3A_373 : i32
          %get3A_375 = arith.index_cast %mul3A_374 : i32 to index
          %get3A_376 = tpu.vector_load %arg14[%get3A_375] {strides = array<i32>} : memref<8208xi32, #tpu.memory_space<vmem>>, vector<16xi32>,
          %ge3A_377 = arith.cmpi uge, %get3A_376, %broadcast_in_dim3A_352 : vector<16xi32>
          %convert_element_type3A = arith.extui %ge3A_377 : vector<16xi1> to vector<16xi32>
          %add3A_378 = arith.addi %while3A_372, %convert_element_type3A : vector<16xi32>
          scf.yield %add3A_378 : vector<16xi32>
        }
        %while3A_364 = arith.constant 1 : i32
        %while3A_365 = scf.for %while3A_371 = %while3A_361 to %while3A_357 step %while3A_364 iter_args(%while3A_372 = %while3A_363) -> (vector<16xi32>)  : i32 {
          %mul3A_373 = arith.constant 16 : i32
          %mul3A_374 = arith.muli %while3A_371, %mul3A_373 : i32
          %get3A_375 = arith.index_cast %mul3A_374 : i32 to index
          %get3A_376 = tpu.vector_load %arg14[%get3A_375] {strides = array<i32>} : memref<8208xi32, #tpu.memory_space<vmem>>, vector<16xi32>,
          %ge3A_377 = arith.cmpi uge, %get3A_376, %broadcast_in_dim3A_352 : vector<16xi32>
          %convert_element_type3A = arith.extui %ge3A_377 : vector<16xi1> to vector<16xi32>
          %add3A_378 = arith.addi %while3A_372, %convert_element_type3A : vector<16xi32>
          scf.yield %add3A_378 : vector<16xi32>
        }
        %reduce_sum3A = arith.constant true
        %reduce_sum3A_366 = vector.broadcast %reduce_sum3A : i1 to vector<16xi1>
        %reduce_sum3A_367 = tpu.scan <sum>, %while3A_365 masked %reduce_sum3A_366 : vector<16xi32>, vector<16xi1> -> vector<16xi32>
        %reduce_sum3A_368 = vector.extract %reduce_sum3A_367[15] : i32 from vector<16xi32>
        %ge3A = arith.constant 64 : i32
        %ge3A_369 = arith.cmpi sge, %reduce_sum3A_368, %ge3A : i32
        %select_n3A_370 = arith.select %ge3A_369, %or3A, %scan3A_348 : i32
        scf.yield %select_n3A_370 : i32
      }
      %scan3A_84 = arith.constant 32 : i32
      %while3A = arith.constant 0 : i32
      %while3A_85 = arith.constant 0 : i32
      %while3A_86 = arith.subi %select_n3A, %while3A : i32
      %while3A_87 = arith.addi %while3A, %while3A_86 : i32
      %while3A_88 = arith.constant 1 : i32
      %while3A_89 = arith.divsi %while3A_86, %while3A_88 : i32
      %while3A_90 = arith.muli %while3A_89, %while3A_88 : i32
      %while3A_91 = arith.addi %while3A, %while3A_90 : i32
      %while3A_92 = arith.constant 1 : i32
      %while3A_93 = scf.for %while3A_347 = %while3A to %while3A_91 step %while3A_92 iter_args(%while3A_348 = %while3A_85) -> (i32)  : i32 {
        %mul3A_349 = arith.constant 16 : i32
        %mul3A_350 = arith.muli %while3A_347, %mul3A_349 : i32
        %get3A_351 = arith.index_cast %mul3A_350 : i32 to index
        %get3A_352 = tpu.vector_load %arg14[%get3A_351] {strides = array<i32>} : memref<8208xi32, #tpu.memory_space<vmem>>, vector<16xi32>,
        %gt3A = vector.broadcast %scan3A_83 : i32 to vector<16xi32>
        %gt3A_353 = arith.cmpi ugt, %get3A_352, %gt3A : vector<16xi32>
        %lt3A = arith.constant 64 : i32
        %lt3A_354 = arith.cmpi slt, %while3A_348, %lt3A : i32
        %convert_element_type3A = arith.extui %lt3A_354 : i1 to i32
        %cond3A = arith.constant 0 : i32
        %cond3A_355 = arith.cmpi ne, %convert_element_type3A, %cond3A : i32
        scf.if %cond3A_355 {
          %swap3A_368 = arith.index_cast %while3A_348 : i32 to index
          %swap3A_369 = tpu.vector_load %arg16[%swap3A_368] masked %gt3A_353 {strides = array<i32>} : memref<96xi32, #tpu.memory_space<vmem>>, vector<16xi32>, vector<16xi1>
          tpu.vector_store %arg16[%swap3A_368], %get3A_352 masked %gt3A_353 {strides = array<i32>} : memref<96xi32, #tpu.memory_space<vmem>>, vector<16xi32>, vector<16xi1>
          %mul3A_370 = arith.constant 16 : i32
          %mul3A_371 = arith.muli %while3A_347, %mul3A_370 : i32
          %get3A_372 = arith.index_cast %mul3A_371 : i32 to index
          %get3A_373 = tpu.vector_load %arg15[%get3A_372] {strides = array<i32>} : memref<8208xi32, #tpu.memory_space<vmem>>, vector<16xi32>,
          %swap3A_374 = arith.index_cast %while3A_348 : i32 to index
          %swap3A_375 = tpu.vector_load %arg17[%swap3A_374] masked %gt3A_353 {strides = array<i32>} : memref<96xi32, #tpu.memory_space<vmem>>, vector<16xi32>, vector<16xi1>
          tpu.vector_store %arg17[%swap3A_374], %get3A_373 masked %gt3A_353 {strides = array<i32>} : memref<96xi32, #tpu.memory_space<vmem>>, vector<16xi32>, vector<16xi1>
        } else {
        }
        %all_reduce_population_count3A = tpu.all_reduce %gt3A_353 {dim = 0 : i64, kind = #tpu.reduction_kind<sum>} : vector<16xi1> -> vector<16xi32>
        %reduce_max3A = arith.constant true
        %reduce_max3A_356 = vector.broadcast %reduce_max3A : i1 to vector<16xi1>
        %reduce_max3A_357 = arith.constant -2147483648 : i32
        %reduce_max3A_358 = vector.broadcast %reduce_max3A_357 : i32 to vector<16xi32>
        %reduce_max3A_359 = arith.xori %all_reduce_population_count3A, %reduce_max3A_358 : vector<16xi32>
        %reduce_max3A_360 = tpu.scan <max>, %reduce_max3A_359 masked %reduce_max3A_356 : vector<16xi32>, vector<16xi1> -> vector<16xi32>
        %reduce_max3A_361 = arith.xori %reduce_max3A_360, %reduce_max3A_358 : vector<16xi32>
        %reduce_max3A_362 = vector.extract %reduce_max3A_361[15] : i32 from vector<16xi32>
        %lt3A_363 = arith.constant 64 : i32
        %lt3A_364 = arith.cmpi slt, %while3A_348, %lt3A_363 : i32
        %jit3A_365 = arith.constant 0 : i32
        %select_n3A_366 = arith.select %lt3A_364, %reduce_max3A_362, %jit3A_365 : i32
        %add3A_367 = arith.addi %while3A_348, %select_n3A_366 : i32
        scf.yield %add3A_367 : i32
      }
      %while3A_94 = arith.constant 1 : i32
      %while3A_95 = scf.for %while3A_347 = %while3A_91 to %while3A_87 step %while3A_94 iter_args(%while3A_348 = %while3A_93) -> (i32)  : i32 {
        %mul3A_349 = arith.constant 16 : i32
        %mul3A_350 = arith.muli %while3A_347, %mul3A_349 : i32
        %get3A_351 = arith.index_cast %mul3A_350 : i32 to index
        %get3A_352 = tpu.vector_load %arg14[%get3A_351] {strides = array<i32>} : memref<8208xi32, #tpu.memory_space<vmem>>, vector<16xi32>,
        %gt3A = vector.broadcast %scan3A_83 : i32 to vector<16xi32>
        %gt3A_353 = arith.cmpi ugt, %get3A_352, %gt3A : vector<16xi32>
        %lt3A = arith.constant 64 : i32
        %lt3A_354 = arith.cmpi slt, %while3A_348, %lt3A : i32
        %convert_element_type3A = arith.extui %lt3A_354 : i1 to i32
        %cond3A = arith.constant 0 : i32
        %cond3A_355 = arith.cmpi ne, %convert_element_type3A, %cond3A : i32
        scf.if %cond3A_355 {
          %swap3A_368 = arith.index_cast %while3A_348 : i32 to index
          %swap3A_369 = tpu.vector_load %arg16[%swap3A_368] masked %gt3A_353 {strides = array<i32>} : memref<96xi32, #tpu.memory_space<vmem>>, vector<16xi32>, vector<16xi1>
          tpu.vector_store %arg16[%swap3A_368], %get3A_352 masked %gt3A_353 {strides = array<i32>} : memref<96xi32, #tpu.memory_space<vmem>>, vector<16xi32>, vector<16xi1>
          %mul3A_370 = arith.constant 16 : i32
          %mul3A_371 = arith.muli %while3A_347, %mul3A_370 : i32
          %get3A_372 = arith.index_cast %mul3A_371 : i32 to index
          %get3A_373 = tpu.vector_load %arg15[%get3A_372] {strides = array<i32>} : memref<8208xi32, #tpu.memory_space<vmem>>, vector<16xi32>,
          %swap3A_374 = arith.index_cast %while3A_348 : i32 to index
          %swap3A_375 = tpu.vector_load %arg17[%swap3A_374] masked %gt3A_353 {strides = array<i32>} : memref<96xi32, #tpu.memory_space<vmem>>, vector<16xi32>, vector<16xi1>
          tpu.vector_store %arg17[%swap3A_374], %get3A_373 masked %gt3A_353 {strides = array<i32>} : memref<96xi32, #tpu.memory_space<vmem>>, vector<16xi32>, vector<16xi1>
        } else {
        }
        %all_reduce_population_count3A = tpu.all_reduce %gt3A_353 {dim = 0 : i64, kind = #tpu.reduction_kind<sum>} : vector<16xi1> -> vector<16xi32>
        %reduce_max3A = arith.constant true
        %reduce_max3A_356 = vector.broadcast %reduce_max3A : i1 to vector<16xi1>
        %reduce_max3A_357 = arith.constant -2147483648 : i32
        %reduce_max3A_358 = vector.broadcast %reduce_max3A_357 : i32 to vector<16xi32>
        %reduce_max3A_359 = arith.xori %all_reduce_population_count3A, %reduce_max3A_358 : vector<16xi32>
        %reduce_max3A_360 = tpu.scan <max>, %reduce_max3A_359 masked %reduce_max3A_356 : vector<16xi32>, vector<16xi1> -> vector<16xi32>
        %reduce_max3A_361 = arith.xori %reduce_max3A_360, %reduce_max3A_358 : vector<16xi32>
        %reduce_max3A_362 = vector.extract %reduce_max3A_361[15] : i32 from vector<16xi32>
        %lt3A_363 = arith.constant 64 : i32
        %lt3A_364 = arith.cmpi slt, %while3A_348, %lt3A_363 : i32
        %jit3A_365 = arith.constant 0 : i32
        %select_n3A_366 = arith.select %lt3A_364, %reduce_max3A_362, %jit3A_365 : i32
        %add3A_367 = arith.addi %while3A_348, %select_n3A_366 : i32
        scf.yield %add3A_367 : i32
      }
      %while3A_96 = arith.constant 0 : i32
      %while3A_97 = arith.subi %select_n3A, %while3A_96 : i32
      %while3A_98 = arith.addi %while3A_96, %while3A_97 : i32
      %while3A_99 = arith.constant 1 : i32
      %while3A_100 = arith.divsi %while3A_97, %while3A_99 : i32
      %while3A_101 = arith.muli %while3A_100, %while3A_99 : i32
      %while3A_102 = arith.addi %while3A_96, %while3A_101 : i32
      %while3A_103 = arith.constant 1 : i32
      %while3A_104 = scf.for %while3A_347 = %while3A_96 to %while3A_102 step %while3A_103 iter_args(%while3A_348 = %while3A_95) -> (i32)  : i32 {
        %mul3A_349 = arith.constant 16 : i32
        %mul3A_350 = arith.muli %while3A_347, %mul3A_349 : i32
        %get3A_351 = arith.index_cast %mul3A_350 : i32 to index
        %get3A_352 = tpu.vector_load %arg14[%get3A_351] {strides = array<i32>} : memref<8208xi32, #tpu.memory_space<vmem>>, vector<16xi32>,
        %eq3A = vector.broadcast %scan3A_83 : i32 to vector<16xi32>
        %eq3A_353 = arith.cmpi eq, %get3A_352, %eq3A : vector<16xi32>
        %lt3A = arith.constant 64 : i32
        %lt3A_354 = arith.cmpi slt, %while3A_348, %lt3A : i32
        %convert_element_type3A = arith.extui %lt3A_354 : i1 to i32
        %cond3A = arith.constant 0 : i32
        %cond3A_355 = arith.cmpi ne, %convert_element_type3A, %cond3A : i32
        scf.if %cond3A_355 {
          %swap3A_368 = arith.index_cast %while3A_348 : i32 to index
          %swap3A_369 = tpu.vector_load %arg16[%swap3A_368] masked %eq3A_353 {strides = array<i32>} : memref<96xi32, #tpu.memory_space<vmem>>, vector<16xi32>, vector<16xi1>
          tpu.vector_store %arg16[%swap3A_368], %get3A_352 masked %eq3A_353 {strides = array<i32>} : memref<96xi32, #tpu.memory_space<vmem>>, vector<16xi32>, vector<16xi1>
          %mul3A_370 = arith.constant 16 : i32
          %mul3A_371 = arith.muli %while3A_347, %mul3A_370 : i32
          %get3A_372 = arith.index_cast %mul3A_371 : i32 to index
          %get3A_373 = tpu.vector_load %arg15[%get3A_372] {strides = array<i32>} : memref<8208xi32, #tpu.memory_space<vmem>>, vector<16xi32>,
          %swap3A_374 = arith.index_cast %while3A_348 : i32 to index
          %swap3A_375 = tpu.vector_load %arg17[%swap3A_374] masked %eq3A_353 {strides = array<i32>} : memref<96xi32, #tpu.memory_space<vmem>>, vector<16xi32>, vector<16xi1>
          tpu.vector_store %arg17[%swap3A_374], %get3A_373 masked %eq3A_353 {strides = array<i32>} : memref<96xi32, #tpu.memory_space<vmem>>, vector<16xi32>, vector<16xi1>
        } else {
        }
        %all_reduce_population_count3A = tpu.all_reduce %eq3A_353 {dim = 0 : i64, kind = #tpu.reduction_kind<sum>} : vector<16xi1> -> vector<16xi32>
        %reduce_max3A = arith.constant true
        %reduce_max3A_356 = vector.broadcast %reduce_max3A : i1 to vector<16xi1>
        %reduce_max3A_357 = arith.constant -2147483648 : i32
        %reduce_max3A_358 = vector.broadcast %reduce_max3A_357 : i32 to vector<16xi32>
        %reduce_max3A_359 = arith.xori %all_reduce_population_count3A, %reduce_max3A_358 : vector<16xi32>
        %reduce_max3A_360 = tpu.scan <max>, %reduce_max3A_359 masked %reduce_max3A_356 : vector<16xi32>, vector<16xi1> -> vector<16xi32>
        %reduce_max3A_361 = arith.xori %reduce_max3A_360, %reduce_max3A_358 : vector<16xi32>
        %reduce_max3A_362 = vector.extract %reduce_max3A_361[15] : i32 from vector<16xi32>
        %lt3A_363 = arith.constant 64 : i32
        %lt3A_364 = arith.cmpi slt, %while3A_348, %lt3A_363 : i32
        %jit3A_365 = arith.constant 0 : i32
        %select_n3A_366 = arith.select %lt3A_364, %reduce_max3A_362, %jit3A_365 : i32
        %add3A_367 = arith.addi %while3A_348, %select_n3A_366 : i32
        scf.yield %add3A_367 : i32
      }
      %while3A_105 = arith.constant 1 : i32
      %while3A_106 = scf.for %while3A_347 = %while3A_102 to %while3A_98 step %while3A_105 iter_args(%while3A_348 = %while3A_104) -> (i32)  : i32 {
        %mul3A_349 = arith.constant 16 : i32
        %mul3A_350 = arith.muli %while3A_347, %mul3A_349 : i32
        %get3A_351 = arith.index_cast %mul3A_350 : i32 to index
        %get3A_352 = tpu.vector_load %arg14[%get3A_351] {strides = array<i32>} : memref<8208xi32, #tpu.memory_space<vmem>>, vector<16xi32>,
        %eq3A = vector.broadcast %scan3A_83 : i32 to vector<16xi32>
        %eq3A_353 = arith.cmpi eq, %get3A_352, %eq3A : vector<16xi32>
        %lt3A = arith.constant 64 : i32
        %lt3A_354 = arith.cmpi slt, %while3A_348, %lt3A : i32
        %convert_element_type3A = arith.extui %lt3A_354 : i1 to i32
        %cond3A = arith.constant 0 : i32
        %cond3A_355 = arith.cmpi ne, %convert_element_type3A, %cond3A : i32
        scf.if %cond3A_355 {
          %swap3A_368 = arith.index_cast %while3A_348 : i32 to index
          %swap3A_369 = tpu.vector_load %arg16[%swap3A_368] masked %eq3A_353 {strides = array<i32>} : memref<96xi32, #tpu.memory_space<vmem>>, vector<16xi32>, vector<16xi1>
          tpu.vector_store %arg16[%swap3A_368], %get3A_352 masked %eq3A_353 {strides = array<i32>} : memref<96xi32, #tpu.memory_space<vmem>>, vector<16xi32>, vector<16xi1>
          %mul3A_370 = arith.constant 16 : i32
          %mul3A_371 = arith.muli %while3A_347, %mul3A_370 : i32
          %get3A_372 = arith.index_cast %mul3A_371 : i32 to index
          %get3A_373 = tpu.vector_load %arg15[%get3A_372] {strides = array<i32>} : memref<8208xi32, #tpu.memory_space<vmem>>, vector<16xi32>,
          %swap3A_374 = arith.index_cast %while3A_348 : i32 to index
          %swap3A_375 = tpu.vector_load %arg17[%swap3A_374] masked %eq3A_353 {strides = array<i32>} : memref<96xi32, #tpu.memory_space<vmem>>, vector<16xi32>, vector<16xi1>
          tpu.vector_store %arg17[%swap3A_374], %get3A_373 masked %eq3A_353 {strides = array<i32>} : memref<96xi32, #tpu.memory_space<vmem>>, vector<16xi32>, vector<16xi1>
        } else {
        }
        %all_reduce_population_count3A = tpu.all_reduce %eq3A_353 {dim = 0 : i64, kind = #tpu.reduction_kind<sum>} : vector<16xi1> -> vector<16xi32>
        %reduce_max3A = arith.constant true
        %reduce_max3A_356 = vector.broadcast %reduce_max3A : i1 to vector<16xi1>
        %reduce_max3A_357 = arith.constant -2147483648 : i32
        %reduce_max3A_358 = vector.broadcast %reduce_max3A_357 : i32 to vector<16xi32>
        %reduce_max3A_359 = arith.xori %all_reduce_population_count3A, %reduce_max3A_358 : vector<16xi32>
        %reduce_max3A_360 = tpu.scan <max>, %reduce_max3A_359 masked %reduce_max3A_356 : vector<16xi32>, vector<16xi1> -> vector<16xi32>
        %reduce_max3A_361 = arith.xori %reduce_max3A_360, %reduce_max3A_358 : vector<16xi32>
        %reduce_max3A_362 = vector.extract %reduce_max3A_361[15] : i32 from vector<16xi32>
        %lt3A_363 = arith.constant 64 : i32
        %lt3A_364 = arith.cmpi slt, %while3A_348, %lt3A_363 : i32
        %jit3A_365 = arith.constant 0 : i32
        %select_n3A_366 = arith.select %lt3A_364, %reduce_max3A_362, %jit3A_365 : i32
        %add3A_367 = arith.addi %while3A_348, %select_n3A_366 : i32
        scf.yield %add3A_367 : i32
      }
      %dma_start3A_107 = arith.constant 0 : i32
      %dma_start3A_108 = tpu.memref_slice %arg17[%dma_start3A_107] : memref<96xi32, #tpu.memory_space<vmem>> -> memref<64xi32, #tpu.memory_space<vmem>>
      %dma_start3A_109 = arith.constant 0 : i32
      %dma_start3A_110 = arith.constant 0 : i32
      %dma_start3A_111 = tpu.memref_slice %arg5[%dma_start3A_109, %dma_start3A_110] : memref<100000x128xf32, #tpu.memory_space<hbm>> -> memref<100000x128xf32, #tpu.memory_space<hbm>>
      tpu.enqueue_indirect_dma source(%dma_start3A_111 : memref<100000x128xf32, #tpu.memory_space<hbm>>) target(%arg19 : memref<64x128xf32, #tpu.memory_space<vmem>>) offsets(%dma_start3A_108 : memref<64xi32, #tpu.memory_space<vmem>>) semaphore(%arg22 : memref<!tpu.dma_semaphore, #tpu.memory_space<semaphore_mem>>)
      %dma_wait3A_112 = arith.constant 0 : i32
      %dma_wait3A_113 = tpu.memref_slice %arg17[%dma_wait3A_112] : memref<96xi32, #tpu.memory_space<vmem>> -> memref<64xi32, #tpu.memory_space<vmem>>
      %dma_wait3A_114 = arith.constant 0 : i32
      %dma_wait3A_115 = arith.constant 0 : i32
      %dma_wait3A_116 = tpu.memref_slice %arg5[%dma_wait3A_114, %dma_wait3A_115] : memref<100000x128xf32, #tpu.memory_space<hbm>> -> memref<100000x128xf32, #tpu.memory_space<hbm>>
      tpu.wait_indirect_dma semaphore(%arg22 : memref<!tpu.dma_semaphore, #tpu.memory_space<semaphore_mem>>) src(%dma_wait3A_116 : memref<100000x128xf32, #tpu.memory_space<hbm>>) dst(%arg19 : memref<64x128xf32, #tpu.memory_space<vmem>>)
      %dma_start3A_117 = arith.constant 0 : i32
      %dma_start3A_118 = tpu.memref_slice %arg17[%dma_start3A_117] : memref<96xi32, #tpu.memory_space<vmem>> -> memref<64xi32, #tpu.memory_space<vmem>>
      %dma_start3A_119 = arith.constant 0 : i32
      %dma_start3A_120 = arith.constant 0 : i32
      %dma_start3A_121 = tpu.memref_slice %arg6[%dma_start3A_119, %dma_start3A_120] : memref<100000x128xf32, #tpu.memory_space<hbm>> -> memref<100000x128xf32, #tpu.memory_space<hbm>>
      tpu.enqueue_indirect_dma source(%dma_start3A_121 : memref<100000x128xf32, #tpu.memory_space<hbm>>) target(%arg20 : memref<64x128xf32, #tpu.memory_space<vmem>>) offsets(%dma_start3A_118 : memref<64xi32, #tpu.memory_space<vmem>>) semaphore(%arg22 : memref<!tpu.dma_semaphore, #tpu.memory_space<semaphore_mem>>)
      %dma_wait3A_122 = arith.constant 0 : i32
      %dma_wait3A_123 = tpu.memref_slice %arg17[%dma_wait3A_122] : memref<96xi32, #tpu.memory_space<vmem>> -> memref<64xi32, #tpu.memory_space<vmem>>
      %dma_wait3A_124 = arith.constant 0 : i32
      %dma_wait3A_125 = arith.constant 0 : i32
      %dma_wait3A_126 = tpu.memref_slice %arg6[%dma_wait3A_124, %dma_wait3A_125] : memref<100000x128xf32, #tpu.memory_space<hbm>> -> memref<100000x128xf32, #tpu.memory_space<hbm>>
      tpu.wait_indirect_dma semaphore(%arg22 : memref<!tpu.dma_semaphore, #tpu.memory_space<semaphore_mem>>) src(%dma_wait3A_126 : memref<100000x128xf32, #tpu.memory_space<hbm>>) dst(%arg20 : memref<64x128xf32, #tpu.memory_space<vmem>>)
      %scan3A_127 = arith.constant 0 : i32
      %scan3A_128 = arith.constant 0 : i32
      %scan3A_129 = arith.constant 64 : i32
      %scan3A_130 = arith.addi %scan3A_128, %scan3A_129 : i32
      %scan3A_131 = arith.constant 1 : i32
      scf.for %scan3A_347 = %scan3A_128 to %scan3A_130 step %scan3A_131  : i32 {
        %broadcast_in_dim3A_348 = arith.constant 0.000000e+00 : f32
        %broadcast_in_dim3A_349 = vector.broadcast %broadcast_in_dim3A_348 : f32 to vector<16xf32>
        %get3A_350 = arith.constant 0 : index
        %get3A_351 = tpu.vector_load %arg8[%get3A_350] {strides = array<i32>} : memref<128xf32, #tpu.memory_space<vmem>>, vector<16xf32>,
        %get3A_352 = arith.index_cast %scan3A_347 : i32 to index
        %get3A_353 = arith.constant 0 : index
        %get3A_354 = tpu.vector_load %arg19[%get3A_352, %get3A_353] {strides = array<i32>} : memref<64x128xf32, #tpu.memory_space<vmem>>, vector<16xf32>,
        %mul3A_355 = arith.mulf %get3A_351, %get3A_354 : vector<16xf32>
        %add3A_356 = arith.addf %broadcast_in_dim3A_349, %mul3A_355 : vector<16xf32>
        %get3A_357 = arith.constant 16 : index
        %get3A_358 = tpu.vector_load %arg8[%get3A_357] {strides = array<i32>} : memref<128xf32, #tpu.memory_space<vmem>>, vector<16xf32>,
        %get3A_359 = arith.index_cast %scan3A_347 : i32 to index
        %get3A_360 = arith.constant 16 : index
        %get3A_361 = tpu.vector_load %arg19[%get3A_359, %get3A_360] {strides = array<i32>} : memref<64x128xf32, #tpu.memory_space<vmem>>, vector<16xf32>,
        %mul3A_362 = arith.mulf %get3A_358, %get3A_361 : vector<16xf32>
        %add3A_363 = arith.addf %add3A_356, %mul3A_362 : vector<16xf32>
        %get3A_364 = arith.constant 32 : index
        %get3A_365 = tpu.vector_load %arg8[%get3A_364] {strides = array<i32>} : memref<128xf32, #tpu.memory_space<vmem>>, vector<16xf32>,
        %get3A_366 = arith.index_cast %scan3A_347 : i32 to index
        %get3A_367 = arith.constant 32 : index
        %get3A_368 = tpu.vector_load %arg19[%get3A_366, %get3A_367] {strides = array<i32>} : memref<64x128xf32, #tpu.memory_space<vmem>>, vector<16xf32>,
        %mul3A_369 = arith.mulf %get3A_365, %get3A_368 : vector<16xf32>
        %add3A_370 = arith.addf %add3A_363, %mul3A_369 : vector<16xf32>
        %get3A_371 = arith.constant 48 : index
        %get3A_372 = tpu.vector_load %arg8[%get3A_371] {strides = array<i32>} : memref<128xf32, #tpu.memory_space<vmem>>, vector<16xf32>,
        %get3A_373 = arith.index_cast %scan3A_347 : i32 to index
        %get3A_374 = arith.constant 48 : index
        %get3A_375 = tpu.vector_load %arg19[%get3A_373, %get3A_374] {strides = array<i32>} : memref<64x128xf32, #tpu.memory_space<vmem>>, vector<16xf32>,
        %mul3A_376 = arith.mulf %get3A_372, %get3A_375 : vector<16xf32>
        %add3A_377 = arith.addf %add3A_370, %mul3A_376 : vector<16xf32>
        %get3A_378 = arith.constant 64 : index
        %get3A_379 = tpu.vector_load %arg8[%get3A_378] {strides = array<i32>} : memref<128xf32, #tpu.memory_space<vmem>>, vector<16xf32>,
        %get3A_380 = arith.index_cast %scan3A_347 : i32 to index
        %get3A_381 = arith.constant 64 : index
        %get3A_382 = tpu.vector_load %arg19[%get3A_380, %get3A_381] {strides = array<i32>} : memref<64x128xf32, #tpu.memory_space<vmem>>, vector<16xf32>,
        %mul3A_383 = arith.mulf %get3A_379, %get3A_382 : vector<16xf32>
        %add3A_384 = arith.addf %add3A_377, %mul3A_383 : vector<16xf32>
        %get3A_385 = arith.constant 80 : index
        %get3A_386 = tpu.vector_load %arg8[%get3A_385] {strides = array<i32>} : memref<128xf32, #tpu.memory_space<vmem>>, vector<16xf32>,
        %get3A_387 = arith.index_cast %scan3A_347 : i32 to index
        %get3A_388 = arith.constant 80 : index
        %get3A_389 = tpu.vector_load %arg19[%get3A_387, %get3A_388] {strides = array<i32>} : memref<64x128xf32, #tpu.memory_space<vmem>>, vector<16xf32>,
        %mul3A_390 = arith.mulf %get3A_386, %get3A_389 : vector<16xf32>
        %add3A_391 = arith.addf %add3A_384, %mul3A_390 : vector<16xf32>
        %get3A_392 = arith.constant 96 : index
        %get3A_393 = tpu.vector_load %arg8[%get3A_392] {strides = array<i32>} : memref<128xf32, #tpu.memory_space<vmem>>, vector<16xf32>,
        %get3A_394 = arith.index_cast %scan3A_347 : i32 to index
        %get3A_395 = arith.constant 96 : index
        %get3A_396 = tpu.vector_load %arg19[%get3A_394, %get3A_395] {strides = array<i32>} : memref<64x128xf32, #tpu.memory_space<vmem>>, vector<16xf32>,
        %mul3A_397 = arith.mulf %get3A_393, %get3A_396 : vector<16xf32>
        %add3A_398 = arith.addf %add3A_391, %mul3A_397 : vector<16xf32>
        %get3A_399 = arith.constant 112 : index
        %get3A_400 = tpu.vector_load %arg8[%get3A_399] {strides = array<i32>} : memref<128xf32, #tpu.memory_space<vmem>>, vector<16xf32>,
        %get3A_401 = arith.index_cast %scan3A_347 : i32 to index
        %get3A_402 = arith.constant 112 : index
        %get3A_403 = tpu.vector_load %arg19[%get3A_401, %get3A_402] {strides = array<i32>} : memref<64x128xf32, #tpu.memory_space<vmem>>, vector<16xf32>,
        %mul3A_404 = arith.mulf %get3A_400, %get3A_403 : vector<16xf32>
        %add3A_405 = arith.addf %add3A_398, %mul3A_404 : vector<16xf32>
        %reduce_sum3A = arith.constant true
        %reduce_sum3A_406 = vector.broadcast %reduce_sum3A : i1 to vector<16xi1>
        %reduce_sum3A_407 = tpu.scan <sum>, %add3A_405 masked %reduce_sum3A_406 : vector<16xf32>, vector<16xi1> -> vector<16xf32>
        %reduce_sum3A_408 = vector.extract %reduce_sum3A_407[15] : f32 from vector<16xf32>
        %broadcast_in_dim3A_409 = vector.broadcast %scan3A_347 : i32 to vector<16xi32>
        %broadcast_in_dim3A_410 = vector.broadcast %reduce_sum3A_408 : f32 to vector<16xf32>
        %eq3A = arith.constant 0 : i32
        %eq3A_411 = vector.broadcast %eq3A : i32 to vector<16xi32>
        %eq3A_412 = arith.cmpi eq, %iota3A, %eq3A_411 : vector<16xi32>
        tpu.vector_store_idx %arg18[%broadcast_in_dim3A_409], %broadcast_in_dim3A_410 masked %eq3A_412 : memref<64xf32, #tpu.memory_space<vmem>>[vector<16xi32>], vector<16xf32>, vector<16xi1>
      }
      %scan3A_132 = arith.constant 64 : i32
      %get3A = arith.constant 0 : index
      %get3A_133 = tpu.vector_load %arg18[%get3A] {strides = array<i32>} : memref<64xf32, #tpu.memory_space<vmem>>, vector<16xf32>,
      %get3A_134 = arith.constant 0 : index
      %get3A_135 = tpu.vector_load %arg16[%get3A_134] {strides = array<i32>} : memref<96xi32, #tpu.memory_space<vmem>>, vector<16xi32>,
      %xor3A = arith.constant -2147483648 : i32
      %xor3A_136 = vector.broadcast %xor3A : i32 to vector<16xi32>
      %xor3A_137 = arith.xori %get3A_135, %xor3A_136 : vector<16xi32>
      %bitcast3A = vector.bitcast %xor3A_137 : vector<16xi32> to vector<16xi32>
      %shift_right_arithmetic3A = arith.constant 31 : i32
      %shift_right_arithmetic3A_138 = vector.broadcast %shift_right_arithmetic3A : i32 to vector<16xi32>
      %shift_right_arithmetic3A_139 = arith.shrsi %bitcast3A, %shift_right_arithmetic3A_138 : vector<16xi32>
      %and3A_140 = vector.broadcast %scan3A : i32 to vector<16xi32>
      %and3A_141 = arith.andi %shift_right_arithmetic3A_139, %and3A_140 : vector<16xi32>
      %xor3A_142 = arith.xori %bitcast3A, %and3A_141 : vector<16xi32>
      %bitcast3A_143 = vector.bitcast %xor3A_142 : vector<16xi32> to vector<16xf32>
      %mul3A_144 = vector.broadcast %scan3A_1 : f32 to vector<16xf32>
      %mul3A_145 = arith.mulf %mul3A_144, %get3A_133 : vector<16xf32>
      %mul3A_146 = arith.mulf %mul3A_145, %get3A_133 : vector<16xf32>
      %mul3A_147 = arith.mulf %mul3A_146, %get3A_133 : vector<16xf32>
      %add3A_148 = arith.addf %get3A_133, %mul3A_147 : vector<16xf32>
      %mul3A_149 = vector.broadcast %scan3A_2 : f32 to vector<16xf32>
      %mul3A_150 = arith.mulf %mul3A_149, %add3A_148 : vector<16xf32>
      %mul3A_151 = arith.constant 2.000000e+00 : f32
      %mul3A_152 = vector.broadcast %mul3A_151 : f32 to vector<16xf32>
      %mul3A_153 = arith.mulf %mul3A_152, %mul3A_150 : vector<16xf32>
      %exp3A = math.exp %mul3A_153 : vector<16xf32>
      %add3A_154 = arith.constant 1.000000e+00 : f32
      %add3A_155 = vector.broadcast %add3A_154 : f32 to vector<16xf32>
      %add3A_156 = arith.addf %exp3A, %add3A_155 : vector<16xf32>
      %div3A_157 = arith.constant 2.000000e+00 : f32
      %div3A_158 = vector.broadcast %div3A_157 : f32 to vector<16xf32>
      %div3A_159 = arith.divf %div3A_158, %add3A_156 : vector<16xf32>
      %sub3A_160 = arith.constant 1.000000e+00 : f32
      %sub3A_161 = vector.broadcast %sub3A_160 : f32 to vector<16xf32>
      %sub3A_162 = arith.subf %sub3A_161, %div3A_159 : vector<16xf32>
      %mul3A_163 = arith.constant 5.000000e-01 : f32
      %mul3A_164 = vector.broadcast %mul3A_163 : f32 to vector<16xf32>
      %mul3A_165 = arith.mulf %mul3A_164, %get3A_133 : vector<16xf32>
      %add3A_166 = arith.constant 1.000000e+00 : f32
      %add3A_167 = vector.broadcast %add3A_166 : f32 to vector<16xf32>
      %add3A_168 = arith.addf %add3A_167, %sub3A_162 : vector<16xf32>
      %mul3A_169 = arith.mulf %mul3A_165, %add3A_168 : vector<16xf32>
      %mul3A_170 = arith.mulf %bitcast3A_143, %mul3A_169 : vector<16xf32>
      %swap3A_171 = arith.constant 0 : index
      %swap3A_172 = tpu.vector_load %arg18[%swap3A_171] {strides = array<i32>} : memref<64xf32, #tpu.memory_space<vmem>>, vector<16xf32>,
      tpu.vector_store %arg18[%swap3A_171], %mul3A_170 {strides = array<i32>} : memref<64xf32, #tpu.memory_space<vmem>>, vector<16xf32>,
      %get3A_173 = arith.constant 16 : index
      %get3A_174 = tpu.vector_load %arg18[%get3A_173] {strides = array<i32>} : memref<64xf32, #tpu.memory_space<vmem>>, vector<16xf32>,
      %get3A_175 = arith.constant 16 : index
      %get3A_176 = tpu.vector_load %arg16[%get3A_175] {strides = array<i32>} : memref<96xi32, #tpu.memory_space<vmem>>, vector<16xi32>,
      %xor3A_177 = arith.constant -2147483648 : i32
      %xor3A_178 = vector.broadcast %xor3A_177 : i32 to vector<16xi32>
      %xor3A_179 = arith.xori %get3A_176, %xor3A_178 : vector<16xi32>
      %bitcast3A_180 = vector.bitcast %xor3A_179 : vector<16xi32> to vector<16xi32>
      %shift_right_arithmetic3A_181 = arith.constant 31 : i32
      %shift_right_arithmetic3A_182 = vector.broadcast %shift_right_arithmetic3A_181 : i32 to vector<16xi32>
      %shift_right_arithmetic3A_183 = arith.shrsi %bitcast3A_180, %shift_right_arithmetic3A_182 : vector<16xi32>
      %and3A_184 = vector.broadcast %scan3A : i32 to vector<16xi32>
      %and3A_185 = arith.andi %shift_right_arithmetic3A_183, %and3A_184 : vector<16xi32>
      %xor3A_186 = arith.xori %bitcast3A_180, %and3A_185 : vector<16xi32>
      %bitcast3A_187 = vector.bitcast %xor3A_186 : vector<16xi32> to vector<16xf32>
      %mul3A_188 = vector.broadcast %scan3A_1 : f32 to vector<16xf32>
      %mul3A_189 = arith.mulf %mul3A_188, %get3A_174 : vector<16xf32>
      %mul3A_190 = arith.mulf %mul3A_189, %get3A_174 : vector<16xf32>
      %mul3A_191 = arith.mulf %mul3A_190, %get3A_174 : vector<16xf32>
      %add3A_192 = arith.addf %get3A_174, %mul3A_191 : vector<16xf32>
      %mul3A_193 = vector.broadcast %scan3A_2 : f32 to vector<16xf32>
      %mul3A_194 = arith.mulf %mul3A_193, %add3A_192 : vector<16xf32>
      %mul3A_195 = arith.constant 2.000000e+00 : f32
      %mul3A_196 = vector.broadcast %mul3A_195 : f32 to vector<16xf32>
      %mul3A_197 = arith.mulf %mul3A_196, %mul3A_194 : vector<16xf32>
      %exp3A_198 = math.exp %mul3A_197 : vector<16xf32>
      %add3A_199 = arith.constant 1.000000e+00 : f32
      %add3A_200 = vector.broadcast %add3A_199 : f32 to vector<16xf32>
      %add3A_201 = arith.addf %exp3A_198, %add3A_200 : vector<16xf32>
      %div3A_202 = arith.constant 2.000000e+00 : f32
      %div3A_203 = vector.broadcast %div3A_202 : f32 to vector<16xf32>
      %div3A_204 = arith.divf %div3A_203, %add3A_201 : vector<16xf32>
      %sub3A_205 = arith.constant 1.000000e+00 : f32
      %sub3A_206 = vector.broadcast %sub3A_205 : f32 to vector<16xf32>
      %sub3A_207 = arith.subf %sub3A_206, %div3A_204 : vector<16xf32>
      %mul3A_208 = arith.constant 5.000000e-01 : f32
      %mul3A_209 = vector.broadcast %mul3A_208 : f32 to vector<16xf32>
      %mul3A_210 = arith.mulf %mul3A_209, %get3A_174 : vector<16xf32>
      %add3A_211 = arith.constant 1.000000e+00 : f32
      %add3A_212 = vector.broadcast %add3A_211 : f32 to vector<16xf32>
      %add3A_213 = arith.addf %add3A_212, %sub3A_207 : vector<16xf32>
      %mul3A_214 = arith.mulf %mul3A_210, %add3A_213 : vector<16xf32>
      %mul3A_215 = arith.mulf %bitcast3A_187, %mul3A_214 : vector<16xf32>
      %swap3A_216 = arith.constant 16 : index
      %swap3A_217 = tpu.vector_load %arg18[%swap3A_216] {strides = array<i32>} : memref<64xf32, #tpu.memory_space<vmem>>, vector<16xf32>,
      tpu.vector_store %arg18[%swap3A_216], %mul3A_215 {strides = array<i32>} : memref<64xf32, #tpu.memory_space<vmem>>, vector<16xf32>,
      %get3A_218 = arith.constant 32 : index
      %get3A_219 = tpu.vector_load %arg18[%get3A_218] {strides = array<i32>} : memref<64xf32, #tpu.memory_space<vmem>>, vector<16xf32>,
      %get3A_220 = arith.constant 32 : index
      %get3A_221 = tpu.vector_load %arg16[%get3A_220] {strides = array<i32>} : memref<96xi32, #tpu.memory_space<vmem>>, vector<16xi32>,
      %xor3A_222 = arith.constant -2147483648 : i32
      %xor3A_223 = vector.broadcast %xor3A_222 : i32 to vector<16xi32>
      %xor3A_224 = arith.xori %get3A_221, %xor3A_223 : vector<16xi32>
      %bitcast3A_225 = vector.bitcast %xor3A_224 : vector<16xi32> to vector<16xi32>
      %shift_right_arithmetic3A_226 = arith.constant 31 : i32
      %shift_right_arithmetic3A_227 = vector.broadcast %shift_right_arithmetic3A_226 : i32 to vector<16xi32>
      %shift_right_arithmetic3A_228 = arith.shrsi %bitcast3A_225, %shift_right_arithmetic3A_227 : vector<16xi32>
      %and3A_229 = vector.broadcast %scan3A : i32 to vector<16xi32>
      %and3A_230 = arith.andi %shift_right_arithmetic3A_228, %and3A_229 : vector<16xi32>
      %xor3A_231 = arith.xori %bitcast3A_225, %and3A_230 : vector<16xi32>
      %bitcast3A_232 = vector.bitcast %xor3A_231 : vector<16xi32> to vector<16xf32>
      %mul3A_233 = vector.broadcast %scan3A_1 : f32 to vector<16xf32>
      %mul3A_234 = arith.mulf %mul3A_233, %get3A_219 : vector<16xf32>
      %mul3A_235 = arith.mulf %mul3A_234, %get3A_219 : vector<16xf32>
      %mul3A_236 = arith.mulf %mul3A_235, %get3A_219 : vector<16xf32>
      %add3A_237 = arith.addf %get3A_219, %mul3A_236 : vector<16xf32>
      %mul3A_238 = vector.broadcast %scan3A_2 : f32 to vector<16xf32>
      %mul3A_239 = arith.mulf %mul3A_238, %add3A_237 : vector<16xf32>
      %mul3A_240 = arith.constant 2.000000e+00 : f32
      %mul3A_241 = vector.broadcast %mul3A_240 : f32 to vector<16xf32>
      %mul3A_242 = arith.mulf %mul3A_241, %mul3A_239 : vector<16xf32>
      %exp3A_243 = math.exp %mul3A_242 : vector<16xf32>
      %add3A_244 = arith.constant 1.000000e+00 : f32
      %add3A_245 = vector.broadcast %add3A_244 : f32 to vector<16xf32>
      %add3A_246 = arith.addf %exp3A_243, %add3A_245 : vector<16xf32>
      %div3A_247 = arith.constant 2.000000e+00 : f32
      %div3A_248 = vector.broadcast %div3A_247 : f32 to vector<16xf32>
      %div3A_249 = arith.divf %div3A_248, %add3A_246 : vector<16xf32>
      %sub3A_250 = arith.constant 1.000000e+00 : f32
      %sub3A_251 = vector.broadcast %sub3A_250 : f32 to vector<16xf32>
      %sub3A_252 = arith.subf %sub3A_251, %div3A_249 : vector<16xf32>
      %mul3A_253 = arith.constant 5.000000e-01 : f32
      %mul3A_254 = vector.broadcast %mul3A_253 : f32 to vector<16xf32>
      %mul3A_255 = arith.mulf %mul3A_254, %get3A_219 : vector<16xf32>
      %add3A_256 = arith.constant 1.000000e+00 : f32
      %add3A_257 = vector.broadcast %add3A_256 : f32 to vector<16xf32>
      %add3A_258 = arith.addf %add3A_257, %sub3A_252 : vector<16xf32>
      %mul3A_259 = arith.mulf %mul3A_255, %add3A_258 : vector<16xf32>
      %mul3A_260 = arith.mulf %bitcast3A_232, %mul3A_259 : vector<16xf32>
      %swap3A_261 = arith.constant 32 : index
      %swap3A_262 = tpu.vector_load %arg18[%swap3A_261] {strides = array<i32>} : memref<64xf32, #tpu.memory_space<vmem>>, vector<16xf32>,
      tpu.vector_store %arg18[%swap3A_261], %mul3A_260 {strides = array<i32>} : memref<64xf32, #tpu.memory_space<vmem>>, vector<16xf32>,
      %get3A_263 = arith.constant 48 : index
      %get3A_264 = tpu.vector_load %arg18[%get3A_263] {strides = array<i32>} : memref<64xf32, #tpu.memory_space<vmem>>, vector<16xf32>,
      %get3A_265 = arith.constant 48 : index
      %get3A_266 = tpu.vector_load %arg16[%get3A_265] {strides = array<i32>} : memref<96xi32, #tpu.memory_space<vmem>>, vector<16xi32>,
      %xor3A_267 = arith.constant -2147483648 : i32
      %xor3A_268 = vector.broadcast %xor3A_267 : i32 to vector<16xi32>
      %xor3A_269 = arith.xori %get3A_266, %xor3A_268 : vector<16xi32>
      %bitcast3A_270 = vector.bitcast %xor3A_269 : vector<16xi32> to vector<16xi32>
      %shift_right_arithmetic3A_271 = arith.constant 31 : i32
      %shift_right_arithmetic3A_272 = vector.broadcast %shift_right_arithmetic3A_271 : i32 to vector<16xi32>
      %shift_right_arithmetic3A_273 = arith.shrsi %bitcast3A_270, %shift_right_arithmetic3A_272 : vector<16xi32>
      %and3A_274 = vector.broadcast %scan3A : i32 to vector<16xi32>
      %and3A_275 = arith.andi %shift_right_arithmetic3A_273, %and3A_274 : vector<16xi32>
      %xor3A_276 = arith.xori %bitcast3A_270, %and3A_275 : vector<16xi32>
      %bitcast3A_277 = vector.bitcast %xor3A_276 : vector<16xi32> to vector<16xf32>
      %mul3A_278 = vector.broadcast %scan3A_1 : f32 to vector<16xf32>
      %mul3A_279 = arith.mulf %mul3A_278, %get3A_264 : vector<16xf32>
      %mul3A_280 = arith.mulf %mul3A_279, %get3A_264 : vector<16xf32>
      %mul3A_281 = arith.mulf %mul3A_280, %get3A_264 : vector<16xf32>
      %add3A_282 = arith.addf %get3A_264, %mul3A_281 : vector<16xf32>
      %mul3A_283 = vector.broadcast %scan3A_2 : f32 to vector<16xf32>
      %mul3A_284 = arith.mulf %mul3A_283, %add3A_282 : vector<16xf32>
      %mul3A_285 = arith.constant 2.000000e+00 : f32
      %mul3A_286 = vector.broadcast %mul3A_285 : f32 to vector<16xf32>
      %mul3A_287 = arith.mulf %mul3A_286, %mul3A_284 : vector<16xf32>
      %exp3A_288 = math.exp %mul3A_287 : vector<16xf32>
      %add3A_289 = arith.constant 1.000000e+00 : f32
      %add3A_290 = vector.broadcast %add3A_289 : f32 to vector<16xf32>
      %add3A_291 = arith.addf %exp3A_288, %add3A_290 : vector<16xf32>
      %div3A_292 = arith.constant 2.000000e+00 : f32
      %div3A_293 = vector.broadcast %div3A_292 : f32 to vector<16xf32>
      %div3A_294 = arith.divf %div3A_293, %add3A_291 : vector<16xf32>
      %sub3A_295 = arith.constant 1.000000e+00 : f32
      %sub3A_296 = vector.broadcast %sub3A_295 : f32 to vector<16xf32>
      %sub3A_297 = arith.subf %sub3A_296, %div3A_294 : vector<16xf32>
      %mul3A_298 = arith.constant 5.000000e-01 : f32
      %mul3A_299 = vector.broadcast %mul3A_298 : f32 to vector<16xf32>
      %mul3A_300 = arith.mulf %mul3A_299, %get3A_264 : vector<16xf32>
      %add3A_301 = arith.constant 1.000000e+00 : f32
      %add3A_302 = vector.broadcast %add3A_301 : f32 to vector<16xf32>
      %add3A_303 = arith.addf %add3A_302, %sub3A_297 : vector<16xf32>
      %mul3A_304 = arith.mulf %mul3A_300, %add3A_303 : vector<16xf32>
      %mul3A_305 = arith.mulf %bitcast3A_277, %mul3A_304 : vector<16xf32>
      %swap3A_306 = arith.constant 48 : index
      %swap3A_307 = tpu.vector_load %arg18[%swap3A_306] {strides = array<i32>} : memref<64xf32, #tpu.memory_space<vmem>>, vector<16xf32>,
      tpu.vector_store %arg18[%swap3A_306], %mul3A_305 {strides = array<i32>} : memref<64xf32, #tpu.memory_space<vmem>>, vector<16xf32>,
      %broadcast_in_dim3A_308 = arith.constant 0.000000e+00 : f32
      %broadcast_in_dim3A_309 = vector.broadcast %broadcast_in_dim3A_308 : f32 to vector<16xf32>
      %broadcast_in_dim3A_310 = arith.constant 0.000000e+00 : f32
      %broadcast_in_dim3A_311 = vector.broadcast %broadcast_in_dim3A_310 : f32 to vector<16xf32>
      %broadcast_in_dim3A_312 = arith.constant 0.000000e+00 : f32
      %broadcast_in_dim3A_313 = vector.broadcast %broadcast_in_dim3A_312 : f32 to vector<16xf32>
      %broadcast_in_dim3A_314 = arith.constant 0.000000e+00 : f32
      %broadcast_in_dim3A_315 = vector.broadcast %broadcast_in_dim3A_314 : f32 to vector<16xf32>
      %broadcast_in_dim3A_316 = arith.constant 0.000000e+00 : f32
      %broadcast_in_dim3A_317 = vector.broadcast %broadcast_in_dim3A_316 : f32 to vector<16xf32>
      %broadcast_in_dim3A_318 = arith.constant 0.000000e+00 : f32
      %broadcast_in_dim3A_319 = vector.broadcast %broadcast_in_dim3A_318 : f32 to vector<16xf32>
      %broadcast_in_dim3A_320 = arith.constant 0.000000e+00 : f32
      %broadcast_in_dim3A_321 = vector.broadcast %broadcast_in_dim3A_320 : f32 to vector<16xf32>
      %broadcast_in_dim3A_322 = arith.constant 0.000000e+00 : f32
      %broadcast_in_dim3A_323 = vector.broadcast %broadcast_in_dim3A_322 : f32 to vector<16xf32>
      %scan3A_324 = arith.constant 0 : i32
      %scan3A_325 = arith.constant 64 : i32
      %scan3A_326 = arith.addi %scan3A_324, %scan3A_325 : i32
      %scan3A_327 = arith.constant 1 : i32
      %scan3A_328:8 = scf.for %scan3A_347 = %scan3A_324 to %scan3A_326 step %scan3A_327 iter_args(%scan3A_348 = %broadcast_in_dim3A_309, %scan3A_349 = %broadcast_in_dim3A_311, %scan3A_350 = %broadcast_in_dim3A_313, %scan3A_351 = %broadcast_in_dim3A_315, %scan3A_352 = %broadcast_in_dim3A_317, %scan3A_353 = %broadcast_in_dim3A_319, %scan3A_354 = %broadcast_in_dim3A_321, %scan3A_355 = %broadcast_in_dim3A_323) -> (vector<16xf32>, vector<16xf32>, vector<16xf32>, vector<16xf32>, vector<16xf32>, vector<16xf32>, vector<16xf32>, vector<16xf32>)  : i32 {
        %broadcast_in_dim3A_356 = vector.broadcast %scan3A_347 : i32 to vector<16xi32>
        %gather3A = tpu.vector_load_idx %arg18[%broadcast_in_dim3A_356] : memref<64xf32, #tpu.memory_space<vmem>>[vector<16xi32>], vector<16xf32>,
        %get3A_357 = arith.index_cast %scan3A_347 : i32 to index
        %get3A_358 = arith.constant 0 : index
        %get3A_359 = tpu.vector_load %arg20[%get3A_357, %get3A_358] {strides = array<i32>} : memref<64x128xf32, #tpu.memory_space<vmem>>, vector<16xf32>,
        %mul3A_360 = arith.mulf %gather3A, %get3A_359 : vector<16xf32>
        %add3A_361 = arith.addf %scan3A_348, %mul3A_360 : vector<16xf32>
        %get3A_362 = arith.index_cast %scan3A_347 : i32 to index
        %get3A_363 = arith.constant 16 : index
        %get3A_364 = tpu.vector_load %arg20[%get3A_362, %get3A_363] {strides = array<i32>} : memref<64x128xf32, #tpu.memory_space<vmem>>, vector<16xf32>,
        %mul3A_365 = arith.mulf %gather3A, %get3A_364 : vector<16xf32>
        %add3A_366 = arith.addf %scan3A_349, %mul3A_365 : vector<16xf32>
        %get3A_367 = arith.index_cast %scan3A_347 : i32 to index
        %get3A_368 = arith.constant 32 : index
        %get3A_369 = tpu.vector_load %arg20[%get3A_367, %get3A_368] {strides = array<i32>} : memref<64x128xf32, #tpu.memory_space<vmem>>, vector<16xf32>,
        %mul3A_370 = arith.mulf %gather3A, %get3A_369 : vector<16xf32>
        %add3A_371 = arith.addf %scan3A_350, %mul3A_370 : vector<16xf32>
        %get3A_372 = arith.index_cast %scan3A_347 : i32 to index
        %get3A_373 = arith.constant 48 : index
        %get3A_374 = tpu.vector_load %arg20[%get3A_372, %get3A_373] {strides = array<i32>} : memref<64x128xf32, #tpu.memory_space<vmem>>, vector<16xf32>,
        %mul3A_375 = arith.mulf %gather3A, %get3A_374 : vector<16xf32>
        %add3A_376 = arith.addf %scan3A_351, %mul3A_375 : vector<16xf32>
        %get3A_377 = arith.index_cast %scan3A_347 : i32 to index
        %get3A_378 = arith.constant 64 : index
        %get3A_379 = tpu.vector_load %arg20[%get3A_377, %get3A_378] {strides = array<i32>} : memref<64x128xf32, #tpu.memory_space<vmem>>, vector<16xf32>,
        %mul3A_380 = arith.mulf %gather3A, %get3A_379 : vector<16xf32>
        %add3A_381 = arith.addf %scan3A_352, %mul3A_380 : vector<16xf32>
        %get3A_382 = arith.index_cast %scan3A_347 : i32 to index
        %get3A_383 = arith.constant 80 : index
        %get3A_384 = tpu.vector_load %arg20[%get3A_382, %get3A_383] {strides = array<i32>} : memref<64x128xf32, #tpu.memory_space<vmem>>, vector<16xf32>,
        %mul3A_385 = arith.mulf %gather3A, %get3A_384 : vector<16xf32>
        %add3A_386 = arith.addf %scan3A_353, %mul3A_385 : vector<16xf32>
        %get3A_387 = arith.index_cast %scan3A_347 : i32 to index
        %get3A_388 = arith.constant 96 : index
        %get3A_389 = tpu.vector_load %arg20[%get3A_387, %get3A_388] {strides = array<i32>} : memref<64x128xf32, #tpu.memory_space<vmem>>, vector<16xf32>,
        %mul3A_390 = arith.mulf %gather3A, %get3A_389 : vector<16xf32>
        %add3A_391 = arith.addf %scan3A_354, %mul3A_390 : vector<16xf32>
        %get3A_392 = arith.index_cast %scan3A_347 : i32 to index
        %get3A_393 = arith.constant 112 : index
        %get3A_394 = tpu.vector_load %arg20[%get3A_392, %get3A_393] {strides = array<i32>} : memref<64x128xf32, #tpu.memory_space<vmem>>, vector<16xf32>,
        %mul3A_395 = arith.mulf %gather3A, %get3A_394 : vector<16xf32>
        %add3A_396 = arith.addf %scan3A_355, %mul3A_395 : vector<16xf32>
        scf.yield %add3A_361, %add3A_366, %add3A_371, %add3A_376, %add3A_381, %add3A_386, %add3A_391, %add3A_396 : vector<16xf32>, vector<16xf32>, vector<16xf32>, vector<16xf32>, vector<16xf32>, vector<16xf32>, vector<16xf32>, vector<16xf32>
      }
      %scan3A_329 = arith.constant 64 : i32
      %swap3A_330 = arith.constant 0 : index
      %swap3A_331 = tpu.vector_load %arg21[%swap3A_330] {strides = array<i32>} : memref<128xf32, #tpu.memory_space<vmem>>, vector<16xf32>,
      tpu.vector_store %arg21[%swap3A_330], %scan3A_328#0 {strides = array<i32>} : memref<128xf32, #tpu.memory_space<vmem>>, vector<16xf32>,
      %swap3A_332 = arith.constant 16 : index
      %swap3A_333 = tpu.vector_load %arg21[%swap3A_332] {strides = array<i32>} : memref<128xf32, #tpu.memory_space<vmem>>, vector<16xf32>,
      tpu.vector_store %arg21[%swap3A_332], %scan3A_328#1 {strides = array<i32>} : memref<128xf32, #tpu.memory_space<vmem>>, vector<16xf32>,
      %swap3A_334 = arith.constant 32 : index
      %swap3A_335 = tpu.vector_load %arg21[%swap3A_334] {strides = array<i32>} : memref<128xf32, #tpu.memory_space<vmem>>, vector<16xf32>,
      tpu.vector_store %arg21[%swap3A_334], %scan3A_328#2 {strides = array<i32>} : memref<128xf32, #tpu.memory_space<vmem>>, vector<16xf32>,
      %swap3A_336 = arith.constant 48 : index
      %swap3A_337 = tpu.vector_load %arg21[%swap3A_336] {strides = array<i32>} : memref<128xf32, #tpu.memory_space<vmem>>, vector<16xf32>,
      tpu.vector_store %arg21[%swap3A_336], %scan3A_328#3 {strides = array<i32>} : memref<128xf32, #tpu.memory_space<vmem>>, vector<16xf32>,
      %swap3A_338 = arith.constant 64 : index
      %swap3A_339 = tpu.vector_load %arg21[%swap3A_338] {strides = array<i32>} : memref<128xf32, #tpu.memory_space<vmem>>, vector<16xf32>,
      tpu.vector_store %arg21[%swap3A_338], %scan3A_328#4 {strides = array<i32>} : memref<128xf32, #tpu.memory_space<vmem>>, vector<16xf32>,
      %swap3A_340 = arith.constant 80 : index
      %swap3A_341 = tpu.vector_load %arg21[%swap3A_340] {strides = array<i32>} : memref<128xf32, #tpu.memory_space<vmem>>, vector<16xf32>,
      tpu.vector_store %arg21[%swap3A_340], %scan3A_328#5 {strides = array<i32>} : memref<128xf32, #tpu.memory_space<vmem>>, vector<16xf32>,
      %swap3A_342 = arith.constant 96 : index
      %swap3A_343 = tpu.vector_load %arg21[%swap3A_342] {strides = array<i32>} : memref<128xf32, #tpu.memory_space<vmem>>, vector<16xf32>,
      tpu.vector_store %arg21[%swap3A_342], %scan3A_328#6 {strides = array<i32>} : memref<128xf32, #tpu.memory_space<vmem>>, vector<16xf32>,
      %swap3A_344 = arith.constant 112 : index
      %swap3A_345 = tpu.vector_load %arg21[%swap3A_344] {strides = array<i32>} : memref<128xf32, #tpu.memory_space<vmem>>, vector<16xf32>,
      tpu.vector_store %arg21[%swap3A_344], %scan3A_328#7 {strides = array<i32>} : memref<128xf32, #tpu.memory_space<vmem>>, vector<16xf32>,
      "tpu.region"() ({
        %run_scoped3A = tpu.sem_alloc : memref<!tpu.dma_semaphore, #tpu.memory_space<semaphore_mem>>
        %dma_start3A_347 = arith.constant 0 : i32
        %dma_start3A_348 = tpu.memref_slice %arg7[%add3A_14, %dma_start3A_347] : memref<1024x128xf32, #tpu.memory_space<hbm>> -> memref<1x128xf32, #tpu.memory_space<hbm>>
        %dma_start3A_349 = tpu.memref_squeeze %dma_start3A_348 : memref<1x128xf32, #tpu.memory_space<hbm>> -> memref<128xf32, #tpu.memory_space<hbm>>
        %dma_start3A_350 = arith.constant 0 : i32
        %dma_start3A_351 = tpu.memref_slice %arg7[%add3A_14, %dma_start3A_350] : memref<1024x128xf32, #tpu.memory_space<hbm>> -> memref<1x128xf32, #tpu.memory_space<hbm>>
        %dma_start3A_352 = tpu.memref_squeeze %dma_start3A_351 : memref<1x128xf32, #tpu.memory_space<hbm>> -> memref<128xf32, #tpu.memory_space<hbm>>
        tpu.enqueue_dma source(%arg21 : memref<128xf32, #tpu.memory_space<vmem>>) target(%dma_start3A_352 : memref<128xf32, #tpu.memory_space<hbm>>) target_semaphore(%run_scoped3A : memref<!tpu.dma_semaphore, #tpu.memory_space<semaphore_mem>>)
        %dma_wait3A_353 = arith.constant 0 : i32
        %dma_wait3A_354 = tpu.memref_slice %arg7[%add3A_14, %dma_wait3A_353] : memref<1024x128xf32, #tpu.memory_space<hbm>> -> memref<1x128xf32, #tpu.memory_space<hbm>>
        %dma_wait3A_355 = tpu.memref_squeeze %dma_wait3A_354 : memref<1x128xf32, #tpu.memory_space<hbm>> -> memref<128xf32, #tpu.memory_space<hbm>>
        %dma_wait3A_356 = arith.constant 0 : i32
        %dma_wait3A_357 = tpu.memref_slice %arg7[%add3A_14, %dma_wait3A_356] : memref<1024x128xf32, #tpu.memory_space<hbm>> -> memref<1x128xf32, #tpu.memory_space<hbm>>
        %dma_wait3A_358 = tpu.memref_squeeze %dma_wait3A_357 : memref<1x128xf32, #tpu.memory_space<hbm>> -> memref<128xf32, #tpu.memory_space<hbm>>
        tpu.wait_dma2 semaphore(%run_scoped3A : memref<!tpu.dma_semaphore, #tpu.memory_space<semaphore_mem>>) src(%arg21 : memref<128xf32, #tpu.memory_space<vmem>>) dst(%dma_wait3A_358 : memref<128xf32, #tpu.memory_space<hbm>>)
        tpu.yield
      }) : () -> ()
      %scan3A_346 = arith.constant 0 : i32
      scf.yield %scan3A_346 : i32
    }
    %scan3A_9 = arith.constant 32 : i32
    return
  }
}

module attributes {stable_mosaic.version = 14 : i64} {
  func.func @_scores_body(%arg0: i32, %arg1: memref<1024x128xf32, #tpu.memory_space<vmem>>, %arg2: memref<2048x128xf32, #tpu.memory_space<vmem>>, %arg3: memref<1024x2048xf32, #tpu.memory_space<vmem>>, %arg4: memref<1x1024x16xf32, #tpu.memory_space<vmem>>) attributes {dimension_semantics = [#tpu.dimension_semantics<arbitrary>], iteration_bounds = array<i64: 49>, scalar_prefetch = 0 : i64, scratch_operands = 0 : i64, tpu.core_type = #tpu.core_type<tc>, window_params = [{pipeline_mode = #tpu.pipeline_mode<synchronous>, transform_indices = @transform_0, window_bounds = array<i64: 1024, 128>}, {transform_indices = @transform_1, window_bounds = array<i64: 2048, 128>}, {transform_indices = @transform_2, window_bounds = array<i64: 1024, 2048>}, {transform_indices = @transform_3, window_bounds = array<i64: 1, 1024, 16>}]} {
    %get3A = arith.constant 0 : index
    %get3A_0 = arith.constant 0 : index
    %get3A_1 = vector.load %arg1[%get3A, %get3A_0] : memref<1024x128xf32, #tpu.memory_space<vmem>>, vector<1024x128xf32>
    %get3A_2 = arith.constant 0 : index
    %get3A_3 = arith.constant 0 : index
    %get3A_4 = vector.load %arg2[%get3A_2, %get3A_3] : memref<2048x128xf32, #tpu.memory_space<vmem>>, vector<2048x128xf32>
    %dot_general3A = arith.constant dense<0.000000e+00> : vector<1024x2048xf32>
    %dot_general3A_5 = tpu.matmul %get3A_1, %get3A_4, %dot_general3A {dimension_numbers = #tpu.dot_dimension_numbers<[1], [1], [0], [0], [0, 0, 1, 0], [], []>, transpose_lhs_hint = false} : vector<1024x128xf32>, vector<2048x128xf32>, vector<1024x2048xf32> -> vector<1024x2048xf32>
    %mul3A = arith.constant 2048 : i32
    %mul3A_6 = arith.muli %arg0, %mul3A : i32
    %iota3A = tpu.iota {dimensions = array<i32: 1>} : vector<1024x2048xi32>
    %add3A = vector.broadcast %mul3A_6 : i32 to vector<1024x2048xi32>
    %add3A_7 = arith.addi %add3A, %iota3A : vector<1024x2048xi32>
    %lt3A = arith.constant 100000 : i32
    %lt3A_8 = vector.broadcast %lt3A : i32 to vector<1024x2048xi32>
    %lt3A_9 = arith.cmpi slt, %add3A_7, %lt3A_8 : vector<1024x2048xi32>
    %jit3A = arith.constant -1.000000e+30 : f32
    %broadcast_in_dim3A = vector.broadcast %jit3A : f32 to vector<1024x2048xf32>
    %select_n3A = arith.select %lt3A_9, %dot_general3A_5, %broadcast_in_dim3A : vector<1024x2048xi1>, vector<1024x2048xf32>
    %swap3A = arith.constant 0 : index
    %swap3A_10 = arith.constant 0 : index
    %swap3A_11 = vector.load %arg3[%swap3A, %swap3A_10] : memref<1024x2048xf32, #tpu.memory_space<vmem>>, vector<1024x2048xf32>
    tpu.vector_store %arg3[%swap3A, %swap3A_10], %select_n3A {strides = array<i32>} : memref<1024x2048xf32, #tpu.memory_space<vmem>>, vector<1024x2048xf32>,
    %slice3A = vector.extract_strided_slice %select_n3A {offsets = [0, 0], sizes = [1024, 128], strides = [1, 1]} : vector<1024x2048xf32> to vector<1024x128xf32>
    %reduce_max3A = arith.constant dense<0xFF800000> : vector<1024xf32>
    %reduce_max3A_12 = vector.multi_reduction <maximumf>, %slice3A, %reduce_max3A [1] : vector<1024x128xf32> to vector<1024xf32>
    %broadcast_in_dim3A_13 = vector.shape_cast %reduce_max3A_12 : vector<1024xf32> to vector<1024x1xf32>
    %slice3A_14 = vector.extract_strided_slice %select_n3A {offsets = [0, 128], sizes = [1024, 128], strides = [1, 1]} : vector<1024x2048xf32> to vector<1024x128xf32>
    %reduce_max3A_15 = arith.constant dense<0xFF800000> : vector<1024xf32>
    %reduce_max3A_16 = vector.multi_reduction <maximumf>, %slice3A_14, %reduce_max3A_15 [1] : vector<1024x128xf32> to vector<1024xf32>
    %broadcast_in_dim3A_17 = vector.shape_cast %reduce_max3A_16 : vector<1024xf32> to vector<1024x1xf32>
    %slice3A_18 = vector.extract_strided_slice %select_n3A {offsets = [0, 256], sizes = [1024, 128], strides = [1, 1]} : vector<1024x2048xf32> to vector<1024x128xf32>
    %reduce_max3A_19 = arith.constant dense<0xFF800000> : vector<1024xf32>
    %reduce_max3A_20 = vector.multi_reduction <maximumf>, %slice3A_18, %reduce_max3A_19 [1] : vector<1024x128xf32> to vector<1024xf32>
    %broadcast_in_dim3A_21 = vector.shape_cast %reduce_max3A_20 : vector<1024xf32> to vector<1024x1xf32>
    %slice3A_22 = vector.extract_strided_slice %select_n3A {offsets = [0, 384], sizes = [1024, 128], strides = [1, 1]} : vector<1024x2048xf32> to vector<1024x128xf32>
    %reduce_max3A_23 = arith.constant dense<0xFF800000> : vector<1024xf32>
    %reduce_max3A_24 = vector.multi_reduction <maximumf>, %slice3A_22, %reduce_max3A_23 [1] : vector<1024x128xf32> to vector<1024xf32>
    %broadcast_in_dim3A_25 = vector.shape_cast %reduce_max3A_24 : vector<1024xf32> to vector<1024x1xf32>
    %slice3A_26 = vector.extract_strided_slice %select_n3A {offsets = [0, 512], sizes = [1024, 128], strides = [1, 1]} : vector<1024x2048xf32> to vector<1024x128xf32>
    %reduce_max3A_27 = arith.constant dense<0xFF800000> : vector<1024xf32>
    %reduce_max3A_28 = vector.multi_reduction <maximumf>, %slice3A_26, %reduce_max3A_27 [1] : vector<1024x128xf32> to vector<1024xf32>
    %broadcast_in_dim3A_29 = vector.shape_cast %reduce_max3A_28 : vector<1024xf32> to vector<1024x1xf32>
    %slice3A_30 = vector.extract_strided_slice %select_n3A {offsets = [0, 640], sizes = [1024, 128], strides = [1, 1]} : vector<1024x2048xf32> to vector<1024x128xf32>
    %reduce_max3A_31 = arith.constant dense<0xFF800000> : vector<1024xf32>
    %reduce_max3A_32 = vector.multi_reduction <maximumf>, %slice3A_30, %reduce_max3A_31 [1] : vector<1024x128xf32> to vector<1024xf32>
    %broadcast_in_dim3A_33 = vector.shape_cast %reduce_max3A_32 : vector<1024xf32> to vector<1024x1xf32>
    %slice3A_34 = vector.extract_strided_slice %select_n3A {offsets = [0, 768], sizes = [1024, 128], strides = [1, 1]} : vector<1024x2048xf32> to vector<1024x128xf32>
    %reduce_max3A_35 = arith.constant dense<0xFF800000> : vector<1024xf32>
    %reduce_max3A_36 = vector.multi_reduction <maximumf>, %slice3A_34, %reduce_max3A_35 [1] : vector<1024x128xf32> to vector<1024xf32>
    %broadcast_in_dim3A_37 = vector.shape_cast %reduce_max3A_36 : vector<1024xf32> to vector<1024x1xf32>
    %slice3A_38 = vector.extract_strided_slice %select_n3A {offsets = [0, 896], sizes = [1024, 128], strides = [1, 1]} : vector<1024x2048xf32> to vector<1024x128xf32>
    %reduce_max3A_39 = arith.constant dense<0xFF800000> : vector<1024xf32>
    %reduce_max3A_40 = vector.multi_reduction <maximumf>, %slice3A_38, %reduce_max3A_39 [1] : vector<1024x128xf32> to vector<1024xf32>
    %broadcast_in_dim3A_41 = vector.shape_cast %reduce_max3A_40 : vector<1024xf32> to vector<1024x1xf32>
    %slice3A_42 = vector.extract_strided_slice %select_n3A {offsets = [0, 1024], sizes = [1024, 128], strides = [1, 1]} : vector<1024x2048xf32> to vector<1024x128xf32>
    %reduce_max3A_43 = arith.constant dense<0xFF800000> : vector<1024xf32>
    %reduce_max3A_44 = vector.multi_reduction <maximumf>, %slice3A_42, %reduce_max3A_43 [1] : vector<1024x128xf32> to vector<1024xf32>
    %broadcast_in_dim3A_45 = vector.shape_cast %reduce_max3A_44 : vector<1024xf32> to vector<1024x1xf32>
    %slice3A_46 = vector.extract_strided_slice %select_n3A {offsets = [0, 1152], sizes = [1024, 128], strides = [1, 1]} : vector<1024x2048xf32> to vector<1024x128xf32>
    %reduce_max3A_47 = arith.constant dense<0xFF800000> : vector<1024xf32>
    %reduce_max3A_48 = vector.multi_reduction <maximumf>, %slice3A_46, %reduce_max3A_47 [1] : vector<1024x128xf32> to vector<1024xf32>
    %broadcast_in_dim3A_49 = vector.shape_cast %reduce_max3A_48 : vector<1024xf32> to vector<1024x1xf32>
    %slice3A_50 = vector.extract_strided_slice %select_n3A {offsets = [0, 1280], sizes = [1024, 128], strides = [1, 1]} : vector<1024x2048xf32> to vector<1024x128xf32>
    %reduce_max3A_51 = arith.constant dense<0xFF800000> : vector<1024xf32>
    %reduce_max3A_52 = vector.multi_reduction <maximumf>, %slice3A_50, %reduce_max3A_51 [1] : vector<1024x128xf32> to vector<1024xf32>
    %broadcast_in_dim3A_53 = vector.shape_cast %reduce_max3A_52 : vector<1024xf32> to vector<1024x1xf32>
    %slice3A_54 = vector.extract_strided_slice %select_n3A {offsets = [0, 1408], sizes = [1024, 128], strides = [1, 1]} : vector<1024x2048xf32> to vector<1024x128xf32>
    %reduce_max3A_55 = arith.constant dense<0xFF800000> : vector<1024xf32>
    %reduce_max3A_56 = vector.multi_reduction <maximumf>, %slice3A_54, %reduce_max3A_55 [1] : vector<1024x128xf32> to vector<1024xf32>
    %broadcast_in_dim3A_57 = vector.shape_cast %reduce_max3A_56 : vector<1024xf32> to vector<1024x1xf32>
    %slice3A_58 = vector.extract_strided_slice %select_n3A {offsets = [0, 1536], sizes = [1024, 128], strides = [1, 1]} : vector<1024x2048xf32> to vector<1024x128xf32>
    %reduce_max3A_59 = arith.constant dense<0xFF800000> : vector<1024xf32>
    %reduce_max3A_60 = vector.multi_reduction <maximumf>, %slice3A_58, %reduce_max3A_59 [1] : vector<1024x128xf32> to vector<1024xf32>
    %broadcast_in_dim3A_61 = vector.shape_cast %reduce_max3A_60 : vector<1024xf32> to vector<1024x1xf32>
    %slice3A_62 = vector.extract_strided_slice %select_n3A {offsets = [0, 1664], sizes = [1024, 128], strides = [1, 1]} : vector<1024x2048xf32> to vector<1024x128xf32>
    %reduce_max3A_63 = arith.constant dense<0xFF800000> : vector<1024xf32>
    %reduce_max3A_64 = vector.multi_reduction <maximumf>, %slice3A_62, %reduce_max3A_63 [1] : vector<1024x128xf32> to vector<1024xf32>
    %broadcast_in_dim3A_65 = vector.shape_cast %reduce_max3A_64 : vector<1024xf32> to vector<1024x1xf32>
    %slice3A_66 = vector.extract_strided_slice %select_n3A {offsets = [0, 1792], sizes = [1024, 128], strides = [1, 1]} : vector<1024x2048xf32> to vector<1024x128xf32>
    %reduce_max3A_67 = arith.constant dense<0xFF800000> : vector<1024xf32>
    %reduce_max3A_68 = vector.multi_reduction <maximumf>, %slice3A_66, %reduce_max3A_67 [1] : vector<1024x128xf32> to vector<1024xf32>
    %broadcast_in_dim3A_69 = vector.shape_cast %reduce_max3A_68 : vector<1024xf32> to vector<1024x1xf32>
    %slice3A_70 = vector.extract_strided_slice %select_n3A {offsets = [0, 1920], sizes = [1024, 128], strides = [1, 1]} : vector<1024x2048xf32> to vector<1024x128xf32>
    %reduce_max3A_71 = arith.constant dense<0xFF800000> : vector<1024xf32>
    %reduce_max3A_72 = vector.multi_reduction <maximumf>, %slice3A_70, %reduce_max3A_71 [1] : vector<1024x128xf32> to vector<1024xf32>
    %broadcast_in_dim3A_73 = vector.shape_cast %reduce_max3A_72 : vector<1024xf32> to vector<1024x1xf32>
    %concatenate3A = tpu.concatenate %broadcast_in_dim3A_13, %broadcast_in_dim3A_17, %broadcast_in_dim3A_21, %broadcast_in_dim3A_25, %broadcast_in_dim3A_29, %broadcast_in_dim3A_33, %broadcast_in_dim3A_37, %broadcast_in_dim3A_41, %broadcast_in_dim3A_45, %broadcast_in_dim3A_49, %broadcast_in_dim3A_53, %broadcast_in_dim3A_57, %broadcast_in_dim3A_61, %broadcast_in_dim3A_65, %broadcast_in_dim3A_69, %broadcast_in_dim3A_73 in 1 : vector<1024x1xf32>, vector<1024x1xf32>, vector<1024x1xf32>, vector<1024x1xf32>, vector<1024x1xf32>, vector<1024x1xf32>, vector<1024x1xf32>, vector<1024x1xf32>, vector<1024x1xf32>, vector<1024x1xf32>, vector<1024x1xf32>, vector<1024x1xf32>, vector<1024x1xf32>, vector<1024x1xf32>, vector<1024x1xf32>, vector<1024x1xf32> -> vector<1024x16xf32>
    %broadcast_in_dim3A_74 = vector.shape_cast %concatenate3A : vector<1024x16xf32> to vector<1x1024x16xf32>
    %swap3A_75 = arith.constant 0 : index
    %swap3A_76 = arith.constant 0 : index
    %swap3A_77 = arith.constant 0 : index
    %swap3A_78 = vector.load %arg4[%swap3A_75, %swap3A_76, %swap3A_77] : memref<1x1024x16xf32, #tpu.memory_space<vmem>>, vector<1x1024x16xf32>
    tpu.vector_store %arg4[%swap3A_75, %swap3A_76, %swap3A_77], %broadcast_in_dim3A_74 {strides = array<i32>} : memref<1x1024x16xf32, #tpu.memory_space<vmem>>, vector<1x1024x16xf32>,
    return
  }
  func.func @transform_0(%arg0: i32) -> (i32, i32) {
    %c0_i32 = arith.constant 0 : i32
    %c0_i32_0 = arith.constant 0 : i32
    %c0_i32_1 = arith.constant 0 : i32
    return %c0_i32, %c0_i32_0 : i32, i32
  }
  func.func @transform_1(%arg0: i32) -> (i32, i32) {
    %c0_i32 = arith.constant 0 : i32
    %c0_i32_0 = arith.constant 0 : i32
    return %arg0, %c0_i32 : i32, i32
  }
  func.func @transform_2(%arg0: i32) -> (i32, i32) {
    %c0_i32 = arith.constant 0 : i32
    %c0_i32_0 = arith.constant 0 : i32
    return %c0_i32, %arg0 : i32, i32
  }
  func.func @transform_3(%arg0: i32) -> (i32, i32, i32) {
    %c0_i32 = arith.constant 0 : i32
    %c0_i32_0 = arith.constant 0 : i32
    %c0_i32_1 = arith.constant 0 : i32
    return %arg0, %c0_i32, %c0_i32_0 : i32, i32, i32
  }
}

</mosaic_0001>

<sc_bundles>
// kernel: kernel.4.cloned.1.call-start
scs
__scs_entry_jumppad:
0x0: {  	(pc) =	sbr.rel $0x88, $3  }
0x1: {  	(tag) =	ssettag $0x0;
	lr =	simm.s32 $0x1  }
0x2: {  	[smem:$0x3F9D] =	sst lr;
	_ =	strace $0xD0000000  }
0x3: {  	_ = 	snop  }
0x4: {  	_ = 	snop  }
0x5: {  	_ = 	snop  }
0x6: {  	_ = 	snop  }
0x7: {  	_ = 	snop  }
__scs_overlays_trampoline_lowered:
0x8: {  	[smem:$0x3FAC] =	sst s0  }
0x9: {  	[smem:$0x3FAD] =	sst s1  }
0xa: {  	[smem:$0x3FAE] =	sst s2  }
0xb: {  	[smem:$0x3FAF] =	sst s3  }
0xc: {  	[smem:$0x3FB0] =	sst s4  }
0xd: {  	[smem:$0x3FB1] =	sst s5  }
0xe: {  	[smem:$0x3FB2] =	sst s6  }
0xf: {  	[smem:$0x3FB3] =	sst s7  }
0x10: {  	[smem:$0x3FB4] =	sst s8  }
0x11: {  	[smem:$0x3FB5] =	sst s9;
	s0 =	simm.s32 @!p0 $0x0  }
0x12: {  	s1 =	sld [smem:$0x3F9B];
	s0 =	simm.s32 @p0 $0x1  }
0x13: {  	[smem:$0x3FB6] =	sst s0;
	s0 =	simm.s32 @!p1 $0x0  }
0x14: {  	s2 =	sld [smem:$0x3F9A];
	s0 =	simm.s32 @p1 $0x1  }
0x15: {  	[smem:$0x3FB7] =	sst s0;
	s0 =	simm.s32 @!p2 $0x0  }
0x16: {  	s3 =	sld [smem:$0x3FDB];
	s0 =	simm.s32 @p2 $0x1  }
0x17: {  	s4 =	simm.s32 $0x1BF5;
	[smem:$0x3FB9] =	sst s0  }
0x18: {  	s0 =	sld [smem:$0x3F9C];
	_ =	swait.ge [sflag:s4], $0x0  }
0x19: {  	s7 =	sld [smem:$0x3F9D]  }
0x1a: {  	s8 =	sadd.s32 $0xFFFFE003, lr  }
0x1b: {  	s9 =	sadd.s32 $0xFFFFFEF7, lr;
	s5 =	simm.s32 $0xFFFFFFFF;
	p2 =	slt.u32 s8, $0xFFFFF086  }
0x1c: {  	p1 =	slt.u32 s9, $0xF7A;
	s5 =	simm.s32 @!p2 $0x0  }
0x1d: {  	s5 =	simm.s32 @p1 $0x1;
	p0 =	seq.s32 s7, s2  }
0x1e: {  	s7 =	smul.u32 @!p0 $0xF7A, s2;
	p2 =	seq.s32 @!p0 s5, $0x0  }
0x1f: {  	s9 =	smul.u32 $0xF7A, s1;
	s8 =	simm.s32 @!p0 $0x1BF5;
	p2 =	por !p2, p0  }
0x20: {  	[sflag:s8] =	ssyncset.s32 @!p0 $0xFFFFF086;
	s6 =	sadd.s32 @!p0 s3, s7;
	s7 =	simm.s32 @!p0 $0x108  }
0x21: {  	s3 =	sadd.s32 s3, s9;
	s6 =	sadd.s32 @!p0 $0x88, s6;
	s7 =	simm.s32 @p2 $0x1082  }
0x22: {  	[simem:s7], [sflag:s8] =	dma.local @!p0 [hbm:s6], $0xF7A  }
0x23: {  	s9 =	sor.u32 $0xD0000000, s2;
	s6 =	simm.s32 $0x108;
	_ =	swait.ge @!p0 [sflag:s8], $0x0  }
0x24: {  	s3 =	sadd.s32 $0x88, s3;
	s6 =	simm.s32 @!p1 $0x1082;
	[sflag:s4] =	ssyncset.s32 $0xFFFFF086  }
0x25: {  	[simem:s6], [sflag:s4] =	dma.local [hbm:s3], $0xF7A  }
0x26: {  	[smem:$0x3F9D] =	sst s1;
	(tag) =	ssettag s2;
	_ =	strace s9  }
0x27: {  	s1 =	sld [smem:$0x3FAD]  }
0x28: {  	s2 =	sld [smem:$0x3FAE]  }
0x29: {  	s4 =	sld [smem:$0x3FB0]  }
0x2a: {  	p0 =	seq.s32 s5, $0x0;
	s5 =	sld [smem:$0x3FB1]  }
0x2b: {  	s6 =	sld [smem:$0x3FB2]  }
0x2c: {  	s7 =	sld [smem:$0x3FB3]  }
0x2d: {  	s3 =	simm.s32 $0x108;
	s8 =	sld [smem:$0x3FB4]  }
0x2e: {  	s3 =	simm.s32 @!p0 $0x1082;
	s9 =	sld [smem:$0x3FB5]  }
0x2f: {  	lr =	sadd.s32 s0, s3;
	s0 =	sld [smem:$0x3FAC]  }
0x30: {  	s3 =	sld [smem:$0x3FAF]  }
0x31: {  	[smem:$0x3FB8] =	sst s10  }
0x32: {  	s10 =	sld [smem:$0x3FB6];
	_ =	sdelay $0x3  }
0x33: {  	p0 =	seq.s32 s10, $0x1;
	s10 =	sld [smem:$0x3FB8];
	_ =	sdelay $0x3  }
0x34: {  	[smem:$0x3FB8] =	sst s10  }
0x35: {  	s10 =	sld [smem:$0x3FB7];
	_ =	sdelay $0x3  }
0x36: {  	p1 =	seq.s32 s10, $0x1;
	s10 =	sld [smem:$0x3FB8];
	_ =	sdelay $0x3  }
0x37: {  	[smem:$0x3FB8] =	sst s10  }
0x38: {  	s10 =	sld [smem:$0x3FB9]  }
0x39: {  	_ = 	snop;
	(pc) =	sbr.ind lr, $3  }
0x3a: {  	_ = 	snop  }
0x3b: {  	_ = 	snop  }
0x3c: {  	p2 =	seq.s32 s10, $0x1;
	s10 =	sld [smem:$0x3FB8]  }
0x3d: {  	_ =	shalt  }
0x3e: {  	_ =	shalt  }
0x3f: {  	_ =	shalt  }
0x40: {  	_ =	shalt  }
0x41: {  	_ =	shalt  }
0x42: {  	_ =	shalt  }
0x43: {  	_ =	shalt  }
0x44: {  	_ =	shalt  }
0x45: {  	_ =	shalt  }
0x46: {  	_ =	shalt  }
0x47: {  	_ =	shalt  }
0x48: {  	_ =	shalt  }
0x49: {  	_ =	shalt  }
0x4a: {  	_ =	shalt  }
0x4b: {  	_ =	shalt  }
0x4c: {  	_ =	shalt  }
0x4d: {  	_ =	shalt  }
0x4e: {  	_ =	shalt  }
0x4f: {  	_ =	shalt  }
0x50: {  	_ =	shalt  }
0x51: {  	_ =	shalt  }
0x52: {  	_ =	shalt  }
0x53: {  	_ =	shalt  }
0x54: {  	_ =	shalt  }
0x55: {  	_ =	shalt  }
0x56: {  	_ =	shalt  }
0x57: {  	_ =	shalt  }
0x58: {  	_ =	shalt  }
0x59: {  	_ =	shalt  }
0x5a: {  	_ =	shalt  }
0x5b: {  	_ =	shalt  }
0x5c: {  	_ =	shalt  }
0x5d: {  	_ =	shalt  }
0x5e: {  	_ =	shalt  }
0x5f: {  	_ =	shalt  }
0x60: {  	_ =	shalt  }
0x61: {  	_ =	shalt  }
0x62: {  	_ =	shalt  }
0x63: {  	_ =	shalt  }
0x64: {  	_ =	shalt  }
0x65: {  	_ =	shalt  }
0x66: {  	_ =	shalt  }
0x67: {  	_ =	shalt  }
0x68: {  	_ =	shalt  }
0x69: {  	_ =	shalt  }
0x6a: {  	_ =	shalt  }
0x6b: {  	_ =	shalt  }
0x6c: {  	_ =	shalt  }
0x6d: {  	_ =	shalt  }
0x6e: {  	_ =	shalt  }
0x6f: {  	_ =	shalt  }
0x70: {  	_ =	shalt  }
0x71: {  	_ =	shalt  }
0x72: {  	_ =	shalt  }
0x73: {  	_ =	shalt  }
0x74: {  	_ =	shalt  }
0x75: {  	_ =	shalt  }
0x76: {  	_ =	shalt  }
0x77: {  	_ =	shalt  }
0x78: {  	_ =	shalt  }
0x79: {  	_ =	shalt  }
0x7a: {  	_ =	shalt  }
0x7b: {  	_ =	shalt  }
0x7c: {  	_ =	shalt  }
0x7d: {  	_ =	shalt  }
0x7e: {  	_ =	shalt  }
0x7f: {  	_ =	shalt  }
0x80: {  	_ =	shalt  }
0x81: {  	_ =	shalt  }
0x82: {  	_ =	shalt  }
0x83: {  	_ =	shalt  }
0x84: {  	_ =	shalt  }
0x85: {  	_ =	shalt  }
0x86: {  	_ =	shalt  }
0x87: {  	_ =	shalt  }
.Lfunc_end0:
.L_simem_size_0:
called_computation_lowered:
.L_overlay_start_0:
0x88: {  	s2 =	sld [smem:$0x3FD9]  }
0x89: {  	s3 =	sld [smem:$0x3FFE];
	_ =	sdelay $0x1  }
0x8a: {  	s1 =	srdreg.scid  }
0x8b: {  	s0 =	sand.u32 $0x1, s1  }
0x8c: {  	s17 =	sshll.u32 s0, $0xA;
	s2 =	sadd.s32 s3, s2  }
0x8d: {  	s2 =	sadd.s32 s2, s17  }
0x8e: {  	[smem:$0x3FC4] =	sst s2  }
0x8f: {  	_ = 	snop  }
0x90: {  	s2 =	sld [smem:$0x3FC9]  }
0x91: {  	s18 =	sld [smem:$0x3FC7]  }
0x92: {  	s4 =	sld [smem:$0x3FC6]  }
0x93: {  	s5 =	sld [smem:$0x3FD0];
	(tm) =	ssettm $0x1  }
0x94: {  	s6 =	sld [smem:$0x3FFB];
	_ =	sdelay $0x3  }
0x95: {  	_ =	strace s6  }
0x96: {  	s6 =	sld [smem:$0x3FFC];
	_ =	sdelay $0x3  }
0x97: {  	_ =	strace s6  }
0x98: {  	s6 =	sld [smem:$0x3FFD];
	_ =	sdelay $0x3  }
0x99: {  	_ =	strace s6  }
0x9a: {  	_ =	strace $0x8FFFFFFF  }
0x9b: {  	s19 =	sld [smem:$0x3FDB];
	_ =	sdelay $0x1  }
0x9c: {  	s7 =	simm.s32 $_scs_section_size  }
0x9d: {  	s8 =	simm.s32 $_size__tile_overlayer_lowered;
	s9 =	simm.s32 $_tile_overlayer_lowered  }
0x9e: {  	s22 =	simm.s32 $0x1BFF;
	s21 =	sshll.u32 s9, $0x1;
	s6 =	sadd.s32 s7, s19  }
0x9f: {  	s10 =	simm.s32 $0x0;
	s20 =	sshll.u32 s8, $0x1;
	s8 =	sadd.s32 s21, s6  }
0xa0: {  	[timem:s10], [sflag:s22] =	dma.local [hbm:s8], s20  }
0xa1: {  	_ =	swait.ge [sflag:s22], s20  }
0xa2: {  	s7 =	ssub.s32 $0x0, s20;
	[sflag:s22] =	ssyncset.done $0x0  }
0xa3: {  	[sflag:s22] =	ssyncadd.s32 s7;
	_ =	sdelay $0x1  }
0xa4: {  	s23 =	simm.s32 $0x1B8B  }
0xa5: {  	_ =	swait.ge [sflag:s23], $0x1  }
0xa6: {  	[sflag:s23] =	ssyncset.done $0x0  }
0xa7: {  	s25 =	simm.s32 $0x1B8E;
	s24 =	sld [smem:$0x3FFE];
	[sflag:s23] =	ssyncadd.s32 $0xFFFFFFFF  }
0xa8: {  	s26 =	simm.s32 $execute0_lowered;
	[smem:$0x3FD2] =	sst s25  }
0xa9: {  	s8 =	sshll.u32 s26, $0x1;
	_ =	strace $0x80000046;
	[dreg:$0x1] =	wrdreg $0xFFFFFFFF  }
0xaa: {  	s28 =	simm.s32 $_size_execute0_lowered;
	s6 =	sadd.s32 s6, s8;
	[dreg:$0x0] =	wrdreg $0x0  }
0xab: {  	s8 =	sshll.u32 s28, $0x1;
	[dreg:$0x2] =	wrdreg s6  }
0xac: {  	[dreg:$0x3] =	wrdreg s8  }
0xad: {  	[dreg:$0x4] =	wrdreg $0xC0  }
0xae: {  	_ =	task [dreg:s10], $0x5FFFF  }
0xaf: {  	[dreg:$0x1] =	wrdreg $0xFFFFFFFF  }
0xb0: {  	[dreg:$0x0] =	wrdreg $0x60  }
0xb1: {  	[dreg:$0x2] =	wrdreg s2  }
0xb2: {  	[dreg:$0x3] =	wrdreg s24  }
0xb3: {  	[dreg:$0x4] =	wrdreg s18  }
0xb4: {  	[dreg:$0x5] =	wrdreg s4  }
0xb5: {  	[dreg:$0x6] =	wrdreg s5  }
0xb6: {  	[dreg:$0x7] =	wrdreg $0x9  }
0xb7: {  	_ =	task.clear_ibuf [dreg:s10], $0x8FFFF;
	_ =	strace $0x90000046  }
0xb8: {  	s29 =	simm.s32 $0x9;
	_ =	strace $0x80000048  }
0xb9: {  	_ =	swait.ge [sflag:s29], $0x1  }
0xba: {  	[sflag:s29] =	ssyncadd.s32 $0xFFFFFFFF  }
0xbb: {  	_ =	strace $0x90000048  }
0xbc: {  	_ =	sfence  }
0xbd: {  	s30 =	sld [smem:$0x0];
	_ =	sdelay $0x2  }
0xbe: {  	s31 =	sshll.u32 s1, $0xD;
	s1 =	sshrl.u32 s1, $0x2  }
0xbf: {  	s3 =	sand.u32 $0x4000, s31;
	s1 =	sadd.s32 s1, s30  }
0xc0: {  	s0 =	sor.u32 s3, s0;
	s1 =	sshll.u32 s1, $0x11  }
0xc1: {  	s0 =	sor.u32 s1, s0  }
0xc2: {  	s0 =	sadd.s32 $0x8F2B, s0  }
0xc3: {  	[sflag:s0] =	ssyncadd.remote.s32 $0x1  }
0xc4: {  	_ =	sfence.sel $0xFFFF  }
0xc5: {  	[dreg:$0x0] =	wrdreg $0xFFFFFFFF;
	(pc) =	sbr.abs _section_cstart, $3  }
0xc6: {  	[dreg:$0x1] =	wrdreg $0xFFFFFFFF  }
0xc7: {  	_ =	task.clear_ibuf [dreg:s10], $0x2FFFF;
	_ =	strace $0x9FFFFFFF  }
0xc8: {  	(tm) =	ssettm $0x7FFFFFFF  }
0xc9: {  	_ =	shalt  }
tec
execute0_lowered:
.L_overlay_start_1:
0x0: {  	(tag) =	ssettag $0x1  }
0x1: {  	s0 =	rddreg [dreg:$0x1]  }
0x2: {  	s3 =	rddreg [dreg:$0x3]  }
0x3: {  	s4 =	rddreg [dreg:$0x4];
	s5 =	simm.s32 $0x0  }
0x4: {  	s1 =	srdreg.scid;
	s8 =	stileid.u32;
	s11 =	simm.s32 $0x2  }
0x5: {  	s12 =	simm.s32 $0x400;
	s13 =	simm.s32 $0x80;
	s14 =	simm.s32 $0x80000000  }
0x6: {  	s15 =	simm.s32 $0x40;
	s16 =	simm.s32 $0x800;
	s17 =	simm.s32 $0x880  }
0x7: {  	s18 =	simm.s32 $0x1;
	s19 =	simm.s32 $0x780;
	s20 =	simm.s32 $0x6A00  }
0x8: {  	s21 =	simm.s32 $0x6B00;
	s22 =	simm.s32 $0x8B00;
	s1 =	sand.u32 $0x1, s1  }
0x9: {  	s23 =	simm.s32 $0x6A80;
	s24 =	simm.s32 $0xAB00;
	s2 =	ssub.s32 $0x2, s1  }
0xa: {  	v0 =	vlaneseq.u32;
	[smem:$0x7FF] =	sst s5;
	s7 =	sadd.s32 $0x800, s0;
	s6 =	sshrl.u32 s2, $0x1  }
0xb: {  	v1 =	vimm.s32 $0x0;
	v9 =	vimm.s32 $0x7FFFFFFF;
	s30 =	sshll.u32 s8, $0x6;
	s8 =	sadd.s32 $0xD04800, s0;
	v2 =	vor.u32 $0x10, v0;
	s2 =	ssub.s32 s2, s6  }
0xc: {  	v3 =	vor.u32 $0x20, v0;
	v4 =	vor.u32 $0x30, v0;
	v5 =	vor.u32 $0x40, v0;
	_ =	strace $0x80000047;
	s1 =	sshll.u32 s1, $0x5;
	s31 =	smax.u32 s2, $0x1  }
0xd: {  	v6 =	vor.u32 $0x50, v0;
	v7 =	vor.u32 $0x60, v0;
	v8 =	vor.u32 $0x70, v0;
	s9 =	sor.u32 s1, s30;
	s1 =	simm.s32 $0x0;
	[dreg:$0x6] =	wrdreg s31  }
.LBB2_1:
0xe: {  	[dreg:$0x7] =	wrdreg s1;
	s26 =	simm.s32 $0x0  }
.LBB2_2:
0xf: {  	s29 =	sadd.s32 s9, s26  }
0x10: {  	s0 =	sshll.u32 s26, $0x7;
	s1 =	sshrl.u32 s29, $0x3  }
0x11: {  	s6 =	sand.u32 $0x380, s0;
	s2 =	sshll.u32 s1, $0xA  }
0x12: {  	s0 =	sor.u32 s6, s2  }
0x13: {  	s30 =	rddreg [dreg:$0x0];
	s28 =	sshrl.u32 s0, $0x3  }
0x14: {  	s1 =	smul.u32 $0x1C00, s1;
	s0 =	simm.s32 $0x0;
	s31 =	sadd.s32 s30, s28  }
0x15: {  	[tilespmem:s0], [sflag:$0x2] =	stream.linear.gather [hbm4b:s31+s0], $0x80, $0x38;
	[tilespmem:$0xAB80] =	vst v63  }
0x16: {  	s1 =	sor.u32 s6, s1;
	_ =	swait.ge [sflag:s11], $0x80  }
0x17: {  	s1 =	sshrl.u32 s1, $0x3;
	[sflag:s11] =	ssyncset.done $0x0  }
0x18: {  	s1 =	sadd.s32 s7, s1;
	[sflag:s11] =	ssyncadd.s32 $0xFFFFFF80  }
0x19: {  	[tilespmem:s13], [sflag:$0x2] =	stream.strided.gather [hbm4b:s1+s13], $0x380, s12, s13, $0x38;
	[tilespmem:$0xAB80] =	vst v63  }
0x1a: {  	_ =	swait.ge [sflag:s11], $0x380  }
0x1b: {  	[sflag:s11] =	ssyncset.done $0x0  }
0x1c: {  	s1 =	simm.s32 $0x0;
	[sflag:s11] =	ssyncadd.s32 $0xFFFFFC80  }
0x1d: {  	v10 =	vld [tilespmem:s1+$0x80];
	_ =	sdelay $0x2  }
0x1e: {  	s6 =	simm.s32 $0x40  }
.LBB2_3:
0x1f: {  	p0 =	seq.s32 s6, $0xC00  }
.Ltmp0:
0x20: {  	s2 =	sshra.s32 s6, $0x2;
	s6 =	sadd.s32 $0x40, s6;
	v11 =	vshra.s32 v10, $0x1F;
	v12 =	vmov v10;
	(pc) =	sbr.rel @!p0 .LBB2_3-.Ltmp0, $4  }
0x21: {  	v10 =	vld [tilespmem:s2+$0x80];
	v11 =	vand.u32 $0x7FFFFFFF, v11  }
0x22: {  	v11 =	vxor.u32 v11, v12  }
0x23: {  	v11 =	vxor.u32 $0x80000000, v11  }
0x24: {  	[tilespmem:s1+$0x400] =	vst v11;
	s1 =	smov.u32 s2  }
0x25: {  	_ = 	snop  }
0x26: {  	v11 =	vshra.s32 v10, $0x1F  }
0x27: {  	v11 =	vand.u32 $0x7FFFFFFF, v11  }
0x28: {  	v10 =	vxor.u32 v11, v10  }
0x29: {  	v10 =	vxor.u32 $0x80000000, v10  }
0x2a: {  	[tilespmem:s1+$0x400] =	vst v10;
	s1 =	simm.s32 $0x0  }
.LBB2_5:
0x2b: {  	s2 =	sshrl.u32 s14, s1;
	s10 =	simm.s32 $0x0  }
0x2c: {  	s6 =	sor.u32 s2, s0;
	v12 =	vld [tilespmem:s10+$0x400]  }
0x2d: {  	v10 =	vimm.s32 $0x0;
	s2 =	simm.s32 $0x40;
	v11 =	vmov s6  }
.LBB2_6:
0x2e: {  	p0 =	sne.s32 s2, $0xC00  }
.Ltmp1:
0x2f: {  	_ = 	snop;
	(pc) =	sbr.rel @p0 .LBB2_6-.Ltmp1, $4  }
0x30: {  	_ = 	snop  }
0x31: {  	s10 =	sshra.s32 s2, $0x2;
	s2 =	sadd.s32 $0x40, s2;
	vm0 =	vge.u32 v12, v11  }
0x32: {  	v12 =	vld [tilespmem:s10+$0x400];
	v13 =	vsel vm0, $0x1, v1  }
0x33: {  	v10 =	vadd.s32 v13, v10  }
0x34: {  	_ =	sdelay $0x2  }
0x35: {  	vm0 =	vge.u32 v12, v11  }
0x36: {  	v11 =	vsel vm0, $0x1, v1  }
0x37: {  	v10 =	vadd.s32 v11, v10  }
0x38: {  	(xrf0) =	vadd.scan.msk.s32 $0xffff, v10;
	_ =	sdelay $0x5  }
0x39: {  	v10, _, _ =	vpop (xrf0)  }
0x3a: {  	(v2sf) =	vpush v10, $0xF;
	_ =	sdelay $0xa  }
0x3b: {  	s1 =	sadd.s32 $0x1, s1  }
0x3c: {  	p1 =	seq.s32 s1, $0x20  }
.Ltmp2:
0x3d: {  	_ = 	snop;
	(pc) =	sbr.rel @!p1 .LBB2_5-.Ltmp2, $4  }
0x3e: {  	_ = 	snop  }
0x3f: {  	s2 =	spop (v2sf)  }
0x40: {  	p0 =	sgt.s32 s2, $0x3F  }
0x41: {  	s0 =	smov.u32 @p0 s6  }
0x42: {  	v10 =	vmov s0;
	s0 =	simm.s32 $0x400  }
0x43: {  	v11 =	vld [tilespmem:s0+$0x0];
	_ =	sdelay $0x4  }
0x44: {  	vm0 =	vgt.u32 v11, v10  }
0x45: {  	v12 =	vmpcnt.ones.xlane vm0;
	_ =	sdelay $0x1  }
0x46: {  	v12 =	vxor.u32 $0x80000000, v12  }
0x47: {  	(xrf0) =	vmax.scan.msk.u32 $0xffff, v12;
	_ =	sdelay $0x5  }
0x48: {  	v12, _, _ =	vpop (xrf0)  }
0x49: {  	p0 =	por $0x0, $0x0;
	(v2sf) =	vpush v12, $0xF  }
0x4a: {  	s31 =	simm.s32 $0x0;
	vm0 =	vgt.u32 @!p0 v11, v10;
	v12 =	vlaneseq.u32 @!p0  }
0x4b: {  	[tilespmem:s31+$0x6980] =	vst.msk @!p0 vm0, v11;
	v11 =	vor.u32 @!p0 s31, v12  }
0x4c: {  	s6 =	simm.s32 $0x410;
	[tilespmem:s31+$0x780] =	vst.msk @!p0 vm0, v11  }
0x4d: {  	v11 =	vld [tilespmem:s6+$0x0];
	_ =	sdelay $0x4  }
0x4e: {  	vm15 =	vgt.u32 v11, v10  }
0x4f: {  	v63 =	vmpcnt.ones.xlane vm15;
	_ =	sdelay $0x1  }
0x50: {  	v12 =	vxor.u32 $0x80000000, v63  }
0x51: {  	(xrf0) =	vmax.scan.msk.u32 $0xffff, v12;
	_ =	sdelay $0x1  }
0x52: {  	s30 =	simm.s32 $0x10;
	s1 =	spop (v2sf)  }
0x53: {  	s25 =	simm.s32 $0x20;
	p0 =	por $0x1, $0x1;
	s2 =	sxor.u32 $0x80000000, s1  }
0x54: {  	s10 =	simm.s32 $0x10;
	s1 =	simm.s32 $0x0;
	s2 =	simm.s32 @!p0 $0x0  }
.LBB2_9:
0x55: {  	s1 =	sadd.s32 s1, s2;
	s2 =	smov.u32 s25;
	s25 =	sadd.s32 $0x10, s25  }
0x56: {  	p0 =	seq.s32 s25, $0x310;
	p1 =	sgt.s32 s1, $0x3F;
	v12, _, _ =	vpop (xrf0)  }
0x57: {  	vm0 =	vgt.u32 @!p1 v11, v10;
	v13 =	vlaneseq.u32 @!p1;
	(v2sf) =	vpush v12, $0xF  }
0x58: {  	[tilespmem:s1+$0x6980] =	vst.msk @!p1 vm0, v11;
	v11 =	vor.u32 @!p1 s10, v13;
	s10 =	smov.u32 s2  }
0x59: {  	[tilespmem:s1+$0x780] =	vst.msk @!p1 vm0, v11  }
0x5a: {  	s6 =	sadd.s32 $0x10, s6  }
0x5b: {  	v11 =	vld [tilespmem:s6+$0x0];
	_ =	sdelay $0x4  }
0x5c: {  	vm0 =	vgt.u32 v11, v10  }
0x5d: {  	v12 =	vmpcnt.ones.xlane vm0;
	_ =	sdelay $0x1  }
0x5e: {  	v12 =	vxor.u32 $0x80000000, v12  }
.Ltmp3:
0x5f: {  	(xrf0) =	vmax.scan.msk.u32 $0xffff, v12;
	(pc) =	sbr.rel @!p0 .LBB2_9-.Ltmp3, $4  }
0x60: {  	_ = 	snop  }
0x61: {  	s2 =	spop (v2sf)  }
0x62: {  	p1 =	slt.s32 s1, $0x40;
	s2 =	sxor.u32 $0x80000000, s2  }
0x63: {  	s2 =	simm.s32 @!p1 $0x0  }
0x64: {  	s1 =	sadd.s32 s1, s2  }
0x65: {  	v12, _, _ =	vpop (xrf0);
	p0 =	sgt.s32 s1, $0x3F  }
0x66: {  	(v2sf) =	vpush v12, $0xF;
	vm0 =	vgt.u32 @!p0 v11, v10;
	v12 =	vlaneseq.u32 @!p0  }
0x67: {  	[tilespmem:s1+$0x6980] =	vst.msk @!p0 vm0, v11;
	v11 =	vor.u32 @!p0 s10, v12  }
0x68: {  	[tilespmem:s1+$0x780] =	vst.msk @!p0 vm0, v11  }
0x69: {  	v11 =	vld [tilespmem:s0+$0x0];
	_ =	sdelay $0x4  }
0x6a: {  	vm14 =	veq.s32 v11, v10  }
0x6b: {  	v62 =	vmpcnt.ones.xlane vm14;
	_ =	sdelay $0x1  }
0x6c: {  	v12 =	vxor.u32 $0x80000000, v62  }
0x6d: {  	(xrf0) =	vmax.scan.msk.u32 $0xffff, v12;
	_ =	sdelay $0x2  }
0x6e: {  	s25 =	spop (v2sf)  }
0x6f: {  	p1 =	slt.s32 s1, $0x40;
	s2 =	sxor.u32 $0x80000000, s25  }
0x70: {  	s2 =	simm.s32 @!p1 $0x0  }
0x71: {  	s6 =	sadd.s32 s1, s2;
	v12, _, _ =	vpop (xrf0)  }
0x72: {  	(v2sf) =	vpush v12, $0xF;
	p0 =	sgt.s32 s6, $0x3F  }
0x73: {  	vm0 =	veq.s32 @!p0 v11, v10;
	v12 =	vlaneseq.u32 @!p0  }
0x74: {  	[tilespmem:s6+$0x6980] =	vst.msk @!p0 vm0, v11;
	v11 =	vor.u32 @!p0 s31, v12  }
0x75: {  	s0 =	simm.s32 $0x410;
	[tilespmem:s6+$0x780] =	vst.msk @!p0 vm0, v11  }
0x76: {  	v11 =	vld [tilespmem:s0+$0x0];
	_ =	sdelay $0x4  }
0x77: {  	vm15 =	veq.s32 v11, v10  }
0x78: {  	v63 =	vmpcnt.ones.xlane vm15;
	_ =	sdelay $0x1  }
0x79: {  	v12 =	vxor.u32 $0x80000000, v63  }
0x7a: {  	(xrf0) =	vmax.scan.msk.u32 $0xffff, v12;
	_ =	sdelay $0x1  }
0x7b: {  	s31 =	spop (v2sf)  }
0x7c: {  	p0 =	slt.s32 s6, $0x40;
	s2 =	sxor.u32 $0x80000000, s31  }
0x7d: {  	s1 =	simm.s32 $0x20;
	s2 =	simm.s32 @!p0 $0x0  }
.LBB2_11:
0x7e: {  	s6 =	sadd.s32 s6, s2;
	s2 =	smov.u32 s1;
	s1 =	sadd.s32 $0x10, s1  }
0x7f: {  	p0 =	seq.s32 s1, $0x310;
	p1 =	sgt.s32 s6, $0x3F;
	v12, _, _ =	vpop (xrf0)  }
0x80: {  	vm0 =	veq.s32 @!p1 v11, v10;
	v13 =	vlaneseq.u32 @!p1;
	(v2sf) =	vpush v12, $0xF  }
0x81: {  	[tilespmem:s6+$0x6980] =	vst.msk @!p1 vm0, v11;
	v11 =	vor.u32 @!p1 s30, v13;
	s30 =	smov.u32 s2  }
0x82: {  	[tilespmem:s6+$0x780] =	vst.msk @!p1 vm0, v11  }
0x83: {  	s0 =	sadd.s32 $0x10, s0  }
0x84: {  	v11 =	vld [tilespmem:s0+$0x0];
	_ =	sdelay $0x4  }
0x85: {  	vm0 =	veq.s32 v11, v10  }
0x86: {  	v12 =	vmpcnt.ones.xlane vm0;
	_ =	sdelay $0x1  }
0x87: {  	v12 =	vxor.u32 $0x80000000, v12  }
.Ltmp4:
0x88: {  	(xrf0) =	vmax.scan.msk.u32 $0xffff, v12;
	(pc) =	sbr.rel @!p0 .LBB2_11-.Ltmp4, $4  }
0x89: {  	_ = 	snop  }
0x8a: {  	s2 =	spop (v2sf)  }
0x8b: {  	p1 =	slt.s32 s6, $0x40;
	s2 =	sxor.u32 $0x80000000, s2  }
0x8c: {  	s2 =	simm.s32 @!p1 $0x0  }
0x8d: {  	_ = 	snop  }
0x8e: {  	s0 =	sadd.s32 s6, s2;
	v12, _, _ =	vpop (xrf0)  }
0x8f: {  	p0 =	sgt.s32 s0, $0x3F;
	(v2sf) =	vpush v12, $0xF  }
0x90: {  	vm0 =	veq.s32 @!p0 v11, v10;
	v12 =	vlaneseq.u32 @!p0  }
0x91: {  	[tilespmem:s0+$0x6980] =	vst.msk @!p0 vm0, v11;
	v11 =	vor.u32 @!p0 s30, v12  }
0x92: {  	[tilespmem:s0+$0x780] =	vst.msk @!p0 vm0, v11  }
0x93: {  	v11 =	vld [tilespmem:$0x780]  }
0x94: {  	v12 =	vld [tilespmem:$0x790]  }
0x95: {  	v13 =	vld [tilespmem:$0x7A0]  }
0x96: {  	s0 =	smul.u32 $0x310, s29;
	v14 =	vld [tilespmem:$0x7B0];
	_ =	sdelay $0x1  }
0x97: {  	v11 =	vadd.s32 s0, v11  }
0x98: {  	[tilespmem:$0x800] =	vst v11;
	v11 =	vadd.s32 s0, v12  }
0x99: {  	[tilespmem:$0x810] =	vst v11;
	v11 =	vadd.s32 s0, v13  }
0x9a: {  	[tilespmem:$0x820] =	vst v11;
	v11 =	vadd.s32 s0, v14  }
0x9b: {  	[tilespmem:$0x830] =	vst v11  }
0x9c: {  	[tilespmem:s17], [sflag:$0x1] =	stream.indirect.gather [hbm4b:s8+s15], $0x80, s16, s15, $0xb8;
	[tilespmem:$0xAB80] =	vst v63  }
0x9d: {  	s2 =	spop (v2sf)  }
0x9e: {  	_ =	swait.ge [sflag:s18], $0x2000  }
0x9f: {  	s6 =	simm.s32 $0x0;
	[sflag:s18] =	ssyncset.done $0x0  }
0xa0: {  	s29 =	simm.s32 $0x8C0;
	v11 =	vmov s6;
	[sflag:s18] =	ssyncadd.s32 $0xFFFFE000  }
0xa1: {  	v12 =	vld [tilespmem:s29+$0xFFFFFFC0];
	_ =	sdelay $0x3  }
0xa2: {  	v11 =	vld.idx.msk [tilespmem:v11+s19+$0x0], $0xffff  }
0xa3: {  	v13 =	vshra.s32 v12, $0x1F  }
0xa4: {  	v13 =	vand.u32 $0x7FFFFFFF, v13  }
0xa5: {  	v12 =	vxor.u32 v13, v12  }
0xa6: {  	v12 =	vxor.u32 $0x80000000, v12  }
0xa7: {  	v11 =	vshll.u32 v11, $0x7;
	vm8 =	vge.u32 v12, v10  }
0xa8: {  	v13 =	vor.u32 v0, v11;
	[tilespmem:s6+$0x2880] =	vst.msk vm8, v12;
	v12 =	vmpcnt.ones.xlane vm8  }
0xa9: {  	[tilespmem:s6+$0x4900] =	vst.msk vm8, v13  }
0xaa: {  	v12 =	vxor.u32 $0x80000000, v12;
	v13 =	vld [tilespmem:s29+$0xFFFFFFD0]  }
0xab: {  	(xrf0) =	vmax.scan.msk.u32 $0xffff, v12;
	_ =	sdelay $0x3  }
0xac: {  	v12 =	vshra.s32 v13, $0x1F  }
0xad: {  	v12 =	vand.u32 $0x7FFFFFFF, v12  }
0xae: {  	v12 =	vxor.u32 v12, v13;
	v13, _, _ =	vpop (xrf0)  }
0xaf: {  	v12 =	vxor.u32 $0x80000000, v12;
	(v2sf) =	vpush v13, $0xF  }
0xb0: {  	vm9 =	vge.u32 v12, v10  }
0xb1: {  	v13 =	vmpcnt.ones.xlane vm9;
	_ =	sdelay $0x1  }
0xb2: {  	v13 =	vxor.u32 $0x80000000, v13  }
0xb3: {  	(xrf0) =	vmax.scan.msk.u32 $0xffff, v13;
	_ =	sdelay $0x5  }
0xb4: {  	v13, _, _ =	vpop (xrf0)  }
0xb5: {  	(v2sf) =	vpush v13, $0xF;
	_ =	sdelay $0x2  }
0xb6: {  	s10 =	spop (v2sf)  }
0xb7: {  	s0 =	sadd.s32 $0x0, s10  }
0xb8: {  	s0 =	sadd.s32 $0x80000000, s0  }
0xb9: {  	v13 =	vor.u32 v2, v11;
	[tilespmem:s0+$0x2880] =	vst.msk vm9, v12  }
0xba: {  	[tilespmem:s0+$0x4900] =	vst.msk vm9, v13  }
0xbb: {  	v12 =	vld [tilespmem:s29+$0xFFFFFFE0];
	_ =	sdelay $0x4  }
0xbc: {  	v13 =	vshra.s32 v12, $0x1F  }
0xbd: {  	v13 =	vand.u32 $0x7FFFFFFF, v13  }
0xbe: {  	v12 =	vxor.u32 v13, v12;
	s1 =	spop (v2sf)  }
0xbf: {  	s0 =	sadd.s32 s1, s0;
	v12 =	vxor.u32 $0x80000000, v12  }
0xc0: {  	s0 =	sadd.s32 $0x80000000, s0;
	vm10 =	vge.u32 v12, v10  }
0xc1: {  	v13 =	vor.u32 v3, v11;
	[tilespmem:s0+$0x2880] =	vst.msk vm10, v12;
	v12 =	vmpcnt.ones.xlane vm10  }
0xc2: {  	[tilespmem:s0+$0x4900] =	vst.msk vm10, v13  }
0xc3: {  	v12 =	vxor.u32 $0x80000000, v12;
	v13 =	vld [tilespmem:s29+$0xFFFFFFF0]  }
0xc4: {  	(xrf0) =	vmax.scan.msk.u32 $0xffff, v12;
	_ =	sdelay $0x3  }
0xc5: {  	v12 =	vshra.s32 v13, $0x1F  }
0xc6: {  	v12 =	vand.u32 $0x7FFFFFFF, v12  }
0xc7: {  	v12 =	vxor.u32 v12, v13;
	v13, _, _ =	vpop (xrf0)  }
0xc8: {  	v12 =	vxor.u32 $0x80000000, v12;
	(v2sf) =	vpush v13, $0xF  }
0xc9: {  	vm11 =	vge.u32 v12, v10  }
0xca: {  	v13 =	vmpcnt.ones.xlane vm11;
	_ =	sdelay $0x1  }
0xcb: {  	v13 =	vxor.u32 $0x80000000, v13  }
0xcc: {  	(xrf0) =	vmax.scan.msk.u32 $0xffff, v13;
	_ =	sdelay $0x5  }
0xcd: {  	v13, _, _ =	vpop (xrf0)  }
0xce: {  	(v2sf) =	vpush v13, $0xF;
	_ =	sdelay $0x2  }
0xcf: {  	s25 =	spop (v2sf)  }
0xd0: {  	s0 =	sadd.s32 s25, s0  }
0xd1: {  	s0 =	sadd.s32 $0x80000000, s0  }
0xd2: {  	v13 =	vor.u32 v4, v11;
	[tilespmem:s0+$0x2880] =	vst.msk vm11, v12  }
0xd3: {  	[tilespmem:s0+$0x4900] =	vst.msk vm11, v13  }
0xd4: {  	v12 =	vld [tilespmem:s29+$0x0];
	_ =	sdelay $0x4  }
0xd5: {  	v13 =	vshra.s32 v12, $0x1F  }
0xd6: {  	v13 =	vand.u32 $0x7FFFFFFF, v13  }
0xd7: {  	v12 =	vxor.u32 v13, v12;
	s31 =	spop (v2sf)  }
0xd8: {  	s0 =	sadd.s32 s31, s0;
	v12 =	vxor.u32 $0x80000000, v12  }
0xd9: {  	s0 =	sadd.s32 $0x80000000, s0;
	vm12 =	vge.u32 v12, v10  }
0xda: {  	v13 =	vor.u32 v5, v11;
	[tilespmem:s0+$0x2880] =	vst.msk vm12, v12;
	v12 =	vmpcnt.ones.xlane vm12  }
0xdb: {  	[tilespmem:s0+$0x4900] =	vst.msk vm12, v13  }
0xdc: {  	v12 =	vxor.u32 $0x80000000, v12;
	v13 =	vld [tilespmem:s29+$0x10]  }
0xdd: {  	(xrf0) =	vmax.scan.msk.u32 $0xffff, v12;
	_ =	sdelay $0x3  }
0xde: {  	v12 =	vshra.s32 v13, $0x1F  }
0xdf: {  	v12 =	vand.u32 $0x7FFFFFFF, v12  }
0xe0: {  	v12 =	vxor.u32 v12, v13;
	v13, _, _ =	vpop (xrf0)  }
0xe1: {  	v12 =	vxor.u32 $0x80000000, v12;
	(v2sf) =	vpush v13, $0xF  }
0xe2: {  	vm13 =	vge.u32 v12, v10  }
0xe3: {  	v13 =	vmpcnt.ones.xlane vm13;
	_ =	sdelay $0x1  }
0xe4: {  	v13 =	vxor.u32 $0x80000000, v13  }
0xe5: {  	(xrf0) =	vmax.scan.msk.u32 $0xffff, v13;
	_ =	sdelay $0x5  }
0xe6: {  	v13, _, _ =	vpop (xrf0)  }
0xe7: {  	(v2sf) =	vpush v13, $0xF;
	_ =	sdelay $0x2  }
0xe8: {  	s2 =	spop (v2sf)  }
0xe9: {  	s0 =	sadd.s32 s2, s0  }
0xea: {  	s0 =	sadd.s32 $0x80000000, s0  }
0xeb: {  	v13 =	vor.u32 v6, v11;
	[tilespmem:s0+$0x2880] =	vst.msk vm13, v12  }
0xec: {  	[tilespmem:s0+$0x4900] =	vst.msk vm13, v13  }
0xed: {  	v12 =	vld [tilespmem:s29+$0x20];
	_ =	sdelay $0x4  }
0xee: {  	v13 =	vshra.s32 v12, $0x1F  }
0xef: {  	v13 =	vand.u32 $0x7FFFFFFF, v13  }
0xf0: {  	v12 =	vxor.u32 v13, v12;
	s6 =	spop (v2sf)  }
0xf1: {  	s0 =	sadd.s32 s6, s0;
	v12 =	vxor.u32 $0x80000000, v12  }
0xf2: {  	s0 =	sadd.s32 $0x80000000, s0;
	vm14 =	vge.u32 v12, v10  }
0xf3: {  	v13 =	vor.u32 v7, v11;
	[tilespmem:s0+$0x2880] =	vst.msk vm14, v12;
	v12 =	vmpcnt.ones.xlane vm14  }
0xf4: {  	[tilespmem:s0+$0x4900] =	vst.msk vm14, v13  }
0xf5: {  	v12 =	vxor.u32 $0x80000000, v12;
	v13 =	vld [tilespmem:s29+$0x30]  }
0xf6: {  	(xrf0) =	vmax.scan.msk.u32 $0xffff, v12;
	_ =	sdelay $0x3  }
0xf7: {  	v12 =	vshra.s32 v13, $0x1F  }
0xf8: {  	v12 =	vand.u32 $0x7FFFFFFF, v12  }
0xf9: {  	v12 =	vxor.u32 v12, v13;
	v13, _, _ =	vpop (xrf0)  }
0xfa: {  	(v2sf) =	vpush v13, $0xF;
	_ =	sdelay $0x1  }
0xfb: {  	v12 =	vxor.u32 $0x80000000, v12  }
0xfc: {  	vm15 =	vge.u32 v12, v10  }
0xfd: {  	v13 =	vmpcnt.ones.xlane vm15;
	_ =	sdelay $0x1  }
0xfe: {  	v13 =	vxor.u32 $0x80000000, v13  }
0xff: {  	(xrf0) =	vmax.scan.msk.u32 $0xffff, v13;
	_ =	sdelay $0x5  }
0x100: {  	v13, _, _ =	vpop (xrf0)  }
0x101: {  	(v2sf) =	vpush v13, $0xF  }
0x102: {  	s10 =	spop (v2sf)  }
0x103: {  	s0 =	sadd.s32 s10, s0  }
0x104: {  	s0 =	sadd.s32 $0x80000000, s0  }
0x105: {  	v11 =	vor.u32 v8, v11;
	[tilespmem:s0+$0x2880] =	vst.msk vm15, v12  }
0x106: {  	s29 =	simm.s32 $0x940;
	[tilespmem:s0+$0x4900] =	vst.msk vm15, v11  }
0x107: {  	v11 =	vld [tilespmem:s29+$0xFFFFFFC0]  }
0x108: {  	s25 =	simm.s32 $0x1  }
0x109: {  	v12 =	vmov s25;
	_ =	sdelay $0x2  }
0x10a: {  	v13 =	vshra.s32 v11, $0x1F  }
0x10b: {  	v13 =	vand.u32 $0x7FFFFFFF, v13  }
0x10c: {  	v13 =	vxor.u32 v13, v11;
	v11 =	vld.idx.msk [tilespmem:v12+s19+$0x0], $0xffff;
	_ =	sdelay $0x1  }
0x10d: {  	s31 =	spop (v2sf)  }
0x10e: {  	s30 =	simm.s32 $0x2;
	v12 =	vxor.u32 $0x80000000, v13;
	s0 =	sadd.s32 s31, s0  }
.LBB2_13:
0x10f: {  	p0 =	sne.s32 s30, $0x3F  }
0x110: {  	vm0 =	vge.u32 v12, v10;
	v11 =	vshll.u32 v11, $0x7;
	s0 =	sadd.s32 $0x80000000, s0;
	s31 =	smov.u32 s30;
	s30 =	sadd.s32 $0x1, s30  }
0x111: {  	v13 =	vor.u32 v0, v11;
	[tilespmem:s0+$0x2880] =	vst.msk vm0, v12;
	v12 =	vmpcnt.ones.xlane vm0  }
0x112: {  	[tilespmem:s0+$0x4900] =	vst.msk vm0, v13  }
0x113: {  	v12 =	vxor.u32 $0x80000000, v12;
	v13 =	vld [tilespmem:s29+$0xFFFFFFD0]  }
0x114: {  	(xrf0) =	vmax.scan.msk.u32 $0xffff, v12;
	_ =	sdelay $0x3  }
0x115: {  	v12 =	vshra.s32 v13, $0x1F  }
0x116: {  	v12 =	vand.u32 $0x7FFFFFFF, v12  }
0x117: {  	v12 =	vxor.u32 v12, v13;
	v13, _, _ =	vpop (xrf0)  }
0x118: {  	v12 =	vxor.u32 $0x80000000, v12;
	(v2sf) =	vpush v13, $0xF  }
0x119: {  	vm0 =	vge.u32 v12, v10  }
0x11a: {  	v13 =	vmpcnt.ones.xlane vm0;
	_ =	sdelay $0x1  }
0x11b: {  	v13 =	vxor.u32 $0x80000000, v13  }
0x11c: {  	(xrf0) =	vmax.scan.msk.u32 $0xffff, v13;
	_ =	sdelay $0x5  }
0x11d: {  	v13, _, _ =	vpop (xrf0)  }
0x11e: {  	(v2sf) =	vpush v13, $0xF;
	_ =	sdelay $0x2  }
0x11f: {  	s1 =	spop (v2sf)  }
0x120: {  	s0 =	sadd.s32 s1, s0  }
0x121: {  	s0 =	sadd.s32 $0x80000000, s0  }
0x122: {  	v13 =	vor.u32 v2, v11;
	[tilespmem:s0+$0x2880] =	vst.msk vm0, v12  }
0x123: {  	[tilespmem:s0+$0x4900] =	vst.msk vm0, v13  }
0x124: {  	v12 =	vld [tilespmem:s29+$0xFFFFFFE0];
	_ =	sdelay $0x4  }
0x125: {  	v13 =	vshra.s32 v12, $0x1F  }
0x126: {  	v13 =	vand.u32 $0x7FFFFFFF, v13  }
0x127: {  	v12 =	vxor.u32 v13, v12;
	s1 =	spop (v2sf)  }
0x128: {  	s0 =	sadd.s32 s1, s0;
	v12 =	vxor.u32 $0x80000000, v12  }
0x129: {  	s0 =	sadd.s32 $0x80000000, s0;
	vm0 =	vge.u32 v12, v10  }
0x12a: {  	v13 =	vor.u32 v3, v11;
	[tilespmem:s0+$0x2880] =	vst.msk vm0, v12;
	v12 =	vmpcnt.ones.xlane vm0  }
0x12b: {  	[tilespmem:s0+$0x4900] =	vst.msk vm0, v13  }
0x12c: {  	v12 =	vxor.u32 $0x80000000, v12;
	v13 =	vld [tilespmem:s29+$0xFFFFFFF0]  }
0x12d: {  	(xrf0) =	vmax.scan.msk.u32 $0xffff, v12;
	_ =	sdelay $0x3  }
0x12e: {  	v12 =	vshra.s32 v13, $0x1F  }
0x12f: {  	v12 =	vand.u32 $0x7FFFFFFF, v12  }
0x130: {  	v12 =	vxor.u32 v12, v13;
	v13, _, _ =	vpop (xrf0)  }
0x131: {  	v12 =	vxor.u32 $0x80000000, v12;
	(v2sf) =	vpush v13, $0xF  }
0x132: {  	vm0 =	vge.u32 v12, v10  }
0x133: {  	v13 =	vmpcnt.ones.xlane vm0;
	_ =	sdelay $0x1  }
0x134: {  	v13 =	vxor.u32 $0x80000000, v13  }
0x135: {  	(xrf0) =	vmax.scan.msk.u32 $0xffff, v13;
	_ =	sdelay $0x5  }
0x136: {  	v13, _, _ =	vpop (xrf0)  }
0x137: {  	(v2sf) =	vpush v13, $0xF;
	_ =	sdelay $0x2  }
0x138: {  	s1 =	spop (v2sf)  }
0x139: {  	s0 =	sadd.s32 s1, s0  }
0x13a: {  	s0 =	sadd.s32 $0x80000000, s0  }
0x13b: {  	v13 =	vor.u32 v4, v11;
	[tilespmem:s0+$0x2880] =	vst.msk vm0, v12  }
0x13c: {  	[tilespmem:s0+$0x4900] =	vst.msk vm0, v13  }
0x13d: {  	v12 =	vld [tilespmem:s29+$0x0];
	_ =	sdelay $0x4  }
0x13e: {  	v13 =	vshra.s32 v12, $0x1F  }
0x13f: {  	v13 =	vand.u32 $0x7FFFFFFF, v13  }
0x140: {  	v12 =	vxor.u32 v13, v12;
	s1 =	spop (v2sf)  }
0x141: {  	s0 =	sadd.s32 s1, s0;
	v12 =	vxor.u32 $0x80000000, v12  }
0x142: {  	s0 =	sadd.s32 $0x80000000, s0;
	vm0 =	vge.u32 v12, v10  }
0x143: {  	v13 =	vor.u32 v5, v11;
	[tilespmem:s0+$0x2880] =	vst.msk vm0, v12;
	v12 =	vmpcnt.ones.xlane vm0  }
0x144: {  	[tilespmem:s0+$0x4900] =	vst.msk vm0, v13  }
0x145: {  	v12 =	vxor.u32 $0x80000000, v12;
	v13 =	vld [tilespmem:s29+$0x10]  }
0x146: {  	(xrf0) =	vmax.scan.msk.u32 $0xffff, v12;
	_ =	sdelay $0x3  }
0x147: {  	v12 =	vshra.s32 v13, $0x1F  }
0x148: {  	v12 =	vand.u32 $0x7FFFFFFF, v12  }
0x149: {  	v12 =	vxor.u32 v12, v13;
	v13, _, _ =	vpop (xrf0)  }
0x14a: {  	v12 =	vxor.u32 $0x80000000, v12;
	(v2sf) =	vpush v13, $0xF  }
0x14b: {  	vm0 =	vge.u32 v12, v10  }
0x14c: {  	v13 =	vmpcnt.ones.xlane vm0;
	_ =	sdelay $0x1  }
0x14d: {  	v13 =	vxor.u32 $0x80000000, v13  }
0x14e: {  	(xrf0) =	vmax.scan.msk.u32 $0xffff, v13;
	_ =	sdelay $0x5  }
0x14f: {  	v13, _, _ =	vpop (xrf0)  }
0x150: {  	(v2sf) =	vpush v13, $0xF;
	_ =	sdelay $0x2  }
0x151: {  	s1 =	spop (v2sf)  }
0x152: {  	s0 =	sadd.s32 s1, s0  }
0x153: {  	s0 =	sadd.s32 $0x80000000, s0  }
0x154: {  	v13 =	vor.u32 v6, v11;
	[tilespmem:s0+$0x2880] =	vst.msk vm0, v12  }
0x155: {  	[tilespmem:s0+$0x4900] =	vst.msk vm0, v13  }
0x156: {  	v12 =	vld [tilespmem:s29+$0x20];
	_ =	sdelay $0x4  }
0x157: {  	v13 =	vshra.s32 v12, $0x1F  }
0x158: {  	v13 =	vand.u32 $0x7FFFFFFF, v13  }
0x159: {  	v12 =	vxor.u32 v13, v12;
	s1 =	spop (v2sf)  }
0x15a: {  	s0 =	sadd.s32 s1, s0;
	v12 =	vxor.u32 $0x80000000, v12  }
0x15b: {  	s0 =	sadd.s32 $0x80000000, s0;
	vm0 =	vge.u32 v12, v10  }
0x15c: {  	v13 =	vor.u32 v7, v11;
	[tilespmem:s0+$0x2880] =	vst.msk vm0, v12;
	v12 =	vmpcnt.ones.xlane vm0  }
0x15d: {  	[tilespmem:s0+$0x4900] =	vst.msk vm0, v13  }
0x15e: {  	v12 =	vxor.u32 $0x80000000, v12;
	v13 =	vld [tilespmem:s29+$0x30]  }
0x15f: {  	(xrf0) =	vmax.scan.msk.u32 $0xffff, v12;
	_ =	sdelay $0x3  }
0x160: {  	v12 =	vshra.s32 v13, $0x1F  }
0x161: {  	v12 =	vand.u32 $0x7FFFFFFF, v12  }
0x162: {  	v12 =	vxor.u32 v12, v13;
	v13, _, _ =	vpop (xrf0)  }
0x163: {  	v12 =	vxor.u32 $0x80000000, v12;
	(v2sf) =	vpush v13, $0xF  }
0x164: {  	vm0 =	vge.u32 v12, v10  }
0x165: {  	v13 =	vmpcnt.ones.xlane vm0;
	_ =	sdelay $0x1  }
0x166: {  	v13 =	vxor.u32 $0x80000000, v13  }
0x167: {  	(xrf0) =	vmax.scan.msk.u32 $0xffff, v13;
	_ =	sdelay $0x5  }
0x168: {  	v13, _, _ =	vpop (xrf0)  }
0x169: {  	(v2sf) =	vpush v13, $0xF;
	_ =	sdelay $0x2  }
0x16a: {  	s1 =	spop (v2sf)  }
0x16b: {  	s0 =	sadd.s32 s1, s0  }
0x16c: {  	s0 =	sadd.s32 $0x80000000, s0  }
0x16d: {  	v11 =	vor.u32 v8, v11;
	v13 =	vmov s31;
	[tilespmem:s0+$0x2880] =	vst.msk vm0, v12  }
0x16e: {  	s29 =	sadd.s32 $0x80, s29;
	[tilespmem:s0+$0x4900] =	vst.msk vm0, v11  }
0x16f: {  	v12 =	vld [tilespmem:s29+$0xFFFFFFC0];
	_ =	sdelay $0x2  }
0x170: {  	v11 =	vld.idx.msk [tilespmem:v13+s19+$0x0], $0xffff  }
.Ltmp5:
0x171: {  	(pc) =	sbr.rel @p0 .LBB2_13-.Ltmp5, $4  }
0x172: {  	v13 =	vshra.s32 v12, $0x1F  }
0x173: {  	v13 =	vand.u32 $0x7FFFFFFF, v13  }
0x174: {  	v12 =	vxor.u32 v13, v12;
	s1 =	spop (v2sf)  }
0x175: {  	v12 =	vxor.u32 $0x80000000, v12;
	s0 =	sadd.s32 s1, s0  }
0x176: {  	vm0 =	vge.u32 v12, v10;
	v11 =	vshll.u32 v11, $0x7;
	s0 =	sadd.s32 $0x80000000, s0  }
0x177: {  	v13 =	vor.u32 v0, v11;
	[tilespmem:s0+$0x2880] =	vst.msk vm0, v12;
	v40 =	vmpcnt.ones.xlane vm0  }
0x178: {  	[tilespmem:s0+$0x4900] =	vst.msk vm0, v13  }
0x179: {  	v12 =	vxor.u32 $0x80000000, v40;
	v13 =	vld [tilespmem:s29+$0xFFFFFFD0]  }
0x17a: {  	(xrf0) =	vmax.scan.msk.u32 $0xffff, v12;
	_ =	sdelay $0x3  }
0x17b: {  	v41 =	vshra.s32 v13, $0x1F  }
0x17c: {  	v12 =	vand.u32 $0x7FFFFFFF, v41  }
0x17d: {  	v12 =	vxor.u32 v12, v13;
	v42, _, _ =	vpop (xrf0)  }
0x17e: {  	v12 =	vxor.u32 $0x80000000, v12;
	(v2sf) =	vpush v42, $0xF  }
0x17f: {  	vm9 =	vge.u32 v12, v10  }
0x180: {  	v43 =	vmpcnt.ones.xlane vm9;
	_ =	sdelay $0x1  }
0x181: {  	v13 =	vxor.u32 $0x80000000, v43  }
0x182: {  	(xrf0) =	vmax.scan.msk.u32 $0xffff, v13;
	_ =	sdelay $0x5  }
0x183: {  	v13, _, _ =	vpop (xrf0)  }
0x184: {  	(v2sf) =	vpush v13, $0xF;
	_ =	sdelay $0x2  }
0x185: {  	s1 =	spop (v2sf)  }
0x186: {  	s0 =	sadd.s32 s1, s0  }
0x187: {  	s0 =	sadd.s32 $0x80000000, s0  }
0x188: {  	v44 =	vor.u32 v2, v11;
	[tilespmem:s0+$0x2880] =	vst.msk vm9, v12  }
0x189: {  	[tilespmem:s0+$0x4900] =	vst.msk vm9, v44  }
0x18a: {  	v12 =	vld [tilespmem:s29+$0xFFFFFFE0];
	_ =	sdelay $0x4  }
0x18b: {  	v45 =	vshra.s32 v12, $0x1F  }
0x18c: {  	v13 =	vand.u32 $0x7FFFFFFF, v45  }
0x18d: {  	v12 =	vxor.u32 v13, v12;
	s30 =	spop (v2sf)  }
0x18e: {  	s0 =	sadd.s32 s30, s0;
	v12 =	vxor.u32 $0x80000000, v12  }
0x18f: {  	s0 =	sadd.s32 $0x80000000, s0;
	vm10 =	vge.u32 v12, v10  }
0x190: {  	v46 =	vor.u32 v3, v11;
	[tilespmem:s0+$0x2880] =	vst.msk vm10, v12;
	v47 =	vmpcnt.ones.xlane vm10  }
0x191: {  	[tilespmem:s0+$0x4900] =	vst.msk vm10, v46  }
0x192: {  	v12 =	vxor.u32 $0x80000000, v47;
	v13 =	vld [tilespmem:s29+$0xFFFFFFF0]  }
0x193: {  	(xrf0) =	vmax.scan.msk.u32 $0xffff, v12;
	_ =	sdelay $0x3  }
0x194: {  	v48 =	vshra.s32 v13, $0x1F  }
0x195: {  	v12 =	vand.u32 $0x7FFFFFFF, v48  }
0x196: {  	v12 =	vxor.u32 v12, v13;
	v49, _, _ =	vpop (xrf0)  }
0x197: {  	v12 =	vxor.u32 $0x80000000, v12;
	(v2sf) =	vpush v49, $0xF  }
0x198: {  	vm11 =	vge.u32 v12, v10  }
0x199: {  	v50 =	vmpcnt.ones.xlane vm11;
	_ =	sdelay $0x1  }
0x19a: {  	v13 =	vxor.u32 $0x80000000, v50  }
0x19b: {  	(xrf0) =	vmax.scan.msk.u32 $0xffff, v13;
	_ =	sdelay $0x5  }
0x19c: {  	v13, _, _ =	vpop (xrf0)  }
0x19d: {  	(v2sf) =	vpush v13, $0xF;
	_ =	sdelay $0x2  }
0x19e: {  	s31 =	spop (v2sf)  }
0x19f: {  	s0 =	sadd.s32 s31, s0  }
0x1a0: {  	s0 =	sadd.s32 $0x80000000, s0  }
0x1a1: {  	v51 =	vor.u32 v4, v11;
	[tilespmem:s0+$0x2880] =	vst.msk vm11, v12  }
0x1a2: {  	[tilespmem:s0+$0x4900] =	vst.msk vm11, v51  }
0x1a3: {  	v12 =	vld [tilespmem:s29+$0x0];
	_ =	sdelay $0x4  }
0x1a4: {  	v52 =	vshra.s32 v12, $0x1F  }
0x1a5: {  	v13 =	vand.u32 $0x7FFFFFFF, v52  }
0x1a6: {  	v12 =	vxor.u32 v13, v12;
	s2 =	spop (v2sf)  }
0x1a7: {  	s0 =	sadd.s32 s2, s0;
	v12 =	vxor.u32 $0x80000000, v12  }
0x1a8: {  	s0 =	sadd.s32 $0x80000000, s0;
	vm12 =	vge.u32 v12, v10  }
0x1a9: {  	v53 =	vor.u32 v5, v11;
	[tilespmem:s0+$0x2880] =	vst.msk vm12, v12;
	v54 =	vmpcnt.ones.xlane vm12  }
0x1aa: {  	[tilespmem:s0+$0x4900] =	vst.msk vm12, v53  }
0x1ab: {  	v12 =	vxor.u32 $0x80000000, v54;
	v13 =	vld [tilespmem:s29+$0x10]  }
0x1ac: {  	(xrf0) =	vmax.scan.msk.u32 $0xffff, v12;
	_ =	sdelay $0x3  }
0x1ad: {  	v55 =	vshra.s32 v13, $0x1F  }
0x1ae: {  	v12 =	vand.u32 $0x7FFFFFFF, v55  }
0x1af: {  	v12 =	vxor.u32 v12, v13;
	v56, _, _ =	vpop (xrf0)  }
0x1b0: {  	v12 =	vxor.u32 $0x80000000, v12;
	(v2sf) =	vpush v56, $0xF  }
0x1b1: {  	vm13 =	vge.u32 v12, v10  }
0x1b2: {  	v57 =	vmpcnt.ones.xlane vm13;
	_ =	sdelay $0x1  }
0x1b3: {  	v13 =	vxor.u32 $0x80000000, v57  }
0x1b4: {  	(xrf0) =	vmax.scan.msk.u32 $0xffff, v13;
	_ =	sdelay $0x5  }
0x1b5: {  	v13, _, _ =	vpop (xrf0)  }
0x1b6: {  	(v2sf) =	vpush v13, $0xF;
	_ =	sdelay $0x2  }
0x1b7: {  	s6 =	spop (v2sf)  }
0x1b8: {  	s0 =	sadd.s32 s6, s0  }
0x1b9: {  	s0 =	sadd.s32 $0x80000000, s0  }
0x1ba: {  	v58 =	vor.u32 v6, v11;
	[tilespmem:s0+$0x2880] =	vst.msk vm13, v12  }
0x1bb: {  	[tilespmem:s0+$0x4900] =	vst.msk vm13, v58  }
0x1bc: {  	v12 =	vld [tilespmem:s29+$0x20];
	_ =	sdelay $0x4  }
0x1bd: {  	v59 =	vshra.s32 v12, $0x1F  }
0x1be: {  	v13 =	vand.u32 $0x7FFFFFFF, v59  }
0x1bf: {  	v12 =	vxor.u32 v13, v12;
	s10 =	spop (v2sf)  }
0x1c0: {  	s0 =	sadd.s32 s10, s0;
	v12 =	vxor.u32 $0x80000000, v12  }
0x1c1: {  	s0 =	sadd.s32 $0x80000000, s0;
	vm14 =	vge.u32 v12, v10  }
0x1c2: {  	v60 =	vor.u32 v7, v11;
	[tilespmem:s0+$0x2880] =	vst.msk vm14, v12  }
0x1c3: {  	[tilespmem:s0+$0x4900] =	vst.msk vm14, v60  }
0x1c4: {  	v12 =	vld [tilespmem:s29+$0x30];
	_ =	sdelay $0x4  }
0x1c5: {  	v61 =	vshra.s32 v12, $0x1F  }
0x1c6: {  	v13 =	vand.u32 $0x7FFFFFFF, v61  }
0x1c7: {  	v12 =	vxor.u32 v13, v12  }
0x1c8: {  	v62 =	vmpcnt.ones.xlane vm14;
	v12 =	vxor.u32 $0x80000000, v12  }
0x1c9: {  	vm15 =	vge.u32 v12, v10  }
0x1ca: {  	v10 =	vxor.u32 $0x80000000, v62;
	v63 =	vmpcnt.ones.xlane vm15  }
0x1cb: {  	(xrf0) =	vmax.scan.msk.u32 $0xffff, v10  }
0x1cc: {  	v10 =	vxor.u32 $0x80000000, v63  }
0x1cd: {  	(xrf0) =	vmax.scan.msk.u32 $0xffff, v10;
	_ =	sdelay $0x3  }
0x1ce: {  	v10, _, _ =	vpop (xrf0)  }
0x1cf: {  	(v2sf) =	vpush v10, $0xF  }
0x1d0: {  	v10, _, _ =	vpop (xrf0)  }
0x1d1: {  	(v2sf) =	vpush v10, $0xF;
	_ =	sdelay $0xc  }
0x1d2: {  	s25 =	spop (v2sf)  }
0x1d3: {  	s0 =	sadd.s32 s25, s0  }
0x1d4: {  	s0 =	sadd.s32 $0x80000000, s0;
	s30 =	spop (v2sf)  }
0x1d5: {  	s1 =	sadd.s32 s30, s0  }
0x1d6: {  	s1 =	sadd.s32 $0x80000000, s1  }
0x1d7: {  	s2 =	sadd.s32 $0xF, s1  }
0x1d8: {  	s6 =	sand.u32 $0xF, s2  }
0x1d9: {  	s31 =	sshra.s32 s2, $0x1F;
	p1 =	slt.s32 s2, $0x1;
	p0 =	sne.s32 s6, $0x0  }
.Ltmp6:
0x1da: {  	s6 =	sshrl.u32 s31, $0x1C;
	p0 =	por !p1, !p0;
	(pc) =	sbr.rel .LBB2_15-.Ltmp6, $4  }
0x1db: {  	s2 =	sadd.s32 s6, s2;
	s6 =	simm.s32 $0x1;
	p0 =	por !p0, !p0  }
0x1dc: {  	v10 =	vor.u32 v8, v11;
	[tilespmem:s0+$0x2880] =	vst.msk vm15, v12;
	s2 =	sshra.s32 s2, $0x4;
	s6 =	simm.s32 @!p0 $0x0  }
0x1dd: {  	[tilespmem:s0+$0x4900] =	vst.msk vm15, v10;
	s29 =	ssub.s32 s2, s6  }
0x1de: {  	s0 =	simm.s32 $0x0;
	[tilespmem:s1+$0x2880] =	vst v1;
	s1 =	simm.s32 $0x0;
	p0 =	slt.s32 s29, $0x1  }
.LBB2_18:
0x1df: {  	v11 =	vsel vm0, $0x1, v1  }
0x1e0: {  	v10 =	vadd.s32 v11, v10  }
.LBB2_19:
0x1e1: {  	(xrf0) =	vadd.scan.msk.s32 $0xffff, v10;
	_ =	sdelay $0x5  }
0x1e2: {  	v10, _, _ =	vpop (xrf0)  }
0x1e3: {  	(v2sf) =	vpush v10, $0xF;
	_ =	sdelay $0xa  }
0x1e4: {  	s1 =	sadd.s32 $0x1, s1  }
0x1e5: {  	p2 =	seq.s32 s1, $0x20  }
.Ltmp7:
0x1e6: {  	_ = 	snop;
	(pc) =	sbr.rel @p2 .LBB2_20-.Ltmp7, $4  }
0x1e7: {  	_ = 	snop  }
0x1e8: {  	s2 =	spop (v2sf)  }
0x1e9: {  	p1 =	sgt.s32 s2, $0x3F  }
0x1ea: {  	s0 =	smov.u32 @p1 s6  }
.LBB2_15:
.Ltmp8:
0x1eb: {  	(pc) =	sbr.rel @p0 .LBB2_19-.Ltmp8, $3  }
0x1ec: {  	_ =	sdelay $0x1  }
0x1ed: {  	s2 =	sshrl.u32 s14, s1  }
0x1ee: {  	v10 =	vimm.s32 $0x0;
	s6 =	sor.u32 s2, s0  }
0x1ef: {  	s2 =	simm.s32 $0x2880  }
0x1f0: {  	p1 =	sne.s32 s29, $0x1;
	v12 =	vld [tilespmem:s2+$0x0]  }
.Ltmp9:
0x1f1: {  	_ = 	snop;
	(pc) =	sbr.rel @!p1 .LBB2_18-.Ltmp9, $3  }
0x1f2: {  	_ =	sdelay $0x1  }
0x1f3: {  	v11 =	vmov s6  }
0x1f4: {  	s10 =	sadd.s32 $0xFFFFFFFF, s29;
	s25 =	simm.s32 $0x2890;
	vm0 =	vge.u32 v12, v11  }
.LBB2_17:
0x1f5: {  	v12 =	vld [tilespmem:s25+$0x0];
	p1 =	sne.s32 s10, $0x1;
	s10 =	sadd.s32 $0xFFFFFFFF, s10;
	v13 =	vsel vm0, $0x1, v1  }
.Ltmp10:
0x1f6: {  	v10 =	vadd.s32 v13, v10;
	(pc) =	sbr.rel @p1 .LBB2_17-.Ltmp10, $2  }
0x1f7: {  	_ =	sdelay $0x2  }
0x1f8: {  	s25 =	sadd.s32 $0x10, s25;
	vm0 =	vge.u32 v12, v11  }
.Ltmp11:
0x1f9: {  	_ = 	snop;
	(pc) =	sbr.rel .LBB2_18-.Ltmp11, $1  }
0x1fa: {  	_ =	sdelay $0x3  }
.LBB2_20:
.Ltmp12:
0x1fb: {  	(pc) =	sbr.rel @p0 .LBB2_26-.Ltmp12, $1  }
0x1fc: {  	_ =	sdelay $0x3  }
0x1fd: {  	s6 =	simm.s32 $0x2880  }
0x1fe: {  	v11 =	vld [tilespmem:s6+$0x0];
	_ =	sdelay $0x3  }
0x1ff: {  	v10 =	vmov s0  }
0x200: {  	vm0 =	vgt.u32 v11, v10  }
0x201: {  	v12 =	vmpcnt.ones.xlane vm0;
	_ =	sdelay $0x1  }
0x202: {  	v12 =	vxor.u32 $0x80000000, v12  }
0x203: {  	(xrf0) =	vmax.scan.msk.u32 $0xffff, v12;
	_ =	sdelay $0x3  }
0x204: {  	p0 =	por $0x0, $0x0  }
0x205: {  	s0 =	simm.s32 $0x0;
	vm0 =	vgt.u32 @!p0 v11, v10  }
0x206: {  	s30 =	simm.s32 $0x4900;
	s10 =	sadd.s32 $0xFFFFFFFF, s29;
	[tilespmem:s0+$0x6980] =	vst.msk @!p0 vm0, v11;
	v12, _, _ =	vpop (xrf0)  }
0x207: {  	p1 =	sne.s32 s10, $0x0;
	v11 =	vld @!p0 [tilespmem:s30+$0x0];
	(v2sf) =	vpush v12, $0xF  }
.Ltmp13:
0x208: {  	_ = 	snop;
	(pc) =	sbr.rel @!p1 .LBB2_23-.Ltmp13, $2  }
0x209: {  	_ =	sdelay $0x2  }
0x20a: {  	s1 =	simm.s32 $0x2890;
	s25 =	simm.s32 $0x4900;
	[tilespmem:s0+$0x6A00] =	vst.msk @!p0 vm0, v11  }
.LBB2_22:
0x20b: {  	v11 =	vld [tilespmem:s1+$0x0];
	s10 =	sadd.s32 $0xFFFFFFFF, s10  }
0x20c: {  	p0 =	sne.s32 s10, $0x0;
	_ =	sdelay $0x3  }
0x20d: {  	vm0 =	vgt.u32 v11, v10  }
0x20e: {  	v12 =	vmpcnt.ones.xlane vm0;
	_ =	sdelay $0x1  }
0x20f: {  	v12 =	vxor.u32 $0x80000000, v12  }
0x210: {  	(xrf0) =	vmax.scan.msk.u32 $0xffff, v12;
	s2 =	spop (v2sf)  }
0x211: {  	p1 =	slt.s32 s0, $0x40;
	s2 =	sxor.u32 $0x80000000, s2  }
0x212: {  	s2 =	simm.s32 @!p1 $0x0  }
0x213: {  	s0 =	sadd.s32 s0, s2  }
0x214: {  	p1 =	sgt.s32 s0, $0x3F  }
0x215: {  	vm0 =	vgt.u32 @!p1 v11, v10  }
0x216: {  	s25 =	sadd.s32 $0x10, s25;
	[tilespmem:s0+$0x6980] =	vst.msk @!p1 vm0, v11;
	v11, _, _ =	vpop (xrf0)  }
0x217: {  	v12 =	vld @!p1 [tilespmem:s25+$0x0];
	(v2sf) =	vpush v11, $0xF  }
.Ltmp14:
0x218: {  	(pc) =	sbr.rel @p0 .LBB2_22-.Ltmp14, $2  }
0x219: {  	_ =	sdelay $0x2  }
0x21a: {  	s1 =	sadd.s32 $0x10, s1;
	[tilespmem:s0+$0x6A00] =	vst.msk @!p1 vm0, v12  }
.LBB2_23:
0x21b: {  	v11 =	vld [tilespmem:s6+$0x0];
	_ =	sdelay $0x4  }
0x21c: {  	vm0 =	veq.s32 v11, v10  }
0x21d: {  	v12 =	vmpcnt.ones.xlane vm0;
	_ =	sdelay $0x1  }
0x21e: {  	v12 =	vxor.u32 $0x80000000, v12  }
0x21f: {  	s1 =	spop (v2sf);
	(xrf0) =	vmax.scan.msk.u32 $0xffff, v12  }
0x220: {  	p0 =	slt.s32 s0, $0x40;
	s1 =	sxor.u32 $0x80000000, s1  }
0x221: {  	s1 =	simm.s32 @!p0 $0x0  }
0x222: {  	s0 =	sadd.s32 s0, s1  }
0x223: {  	p0 =	sgt.s32 s0, $0x3F  }
0x224: {  	vm0 =	veq.s32 @!p0 v11, v10  }
0x225: {  	s6 =	sadd.s32 $0xFFFFFFFF, s29;
	[tilespmem:s0+$0x6980] =	vst.msk @!p0 vm0, v11;
	v12, _, _ =	vpop (xrf0)  }
0x226: {  	p1 =	sne.s32 s6, $0x0;
	v11 =	vld @!p0 [tilespmem:s30+$0x0];
	(v2sf) =	vpush v12, $0xF  }
.Ltmp15:
0x227: {  	_ = 	snop;
	(pc) =	sbr.rel @!p1 .LBB2_25-.Ltmp15, $2  }
0x228: {  	_ =	sdelay $0x2  }
0x229: {  	s1 =	simm.s32 $0x2890;
	[tilespmem:s0+$0x6A00] =	vst.msk @!p0 vm0, v11  }
.LBB2_24:
0x22a: {  	v11 =	vld [tilespmem:s1+$0x0];
	s6 =	sadd.s32 $0xFFFFFFFF, s6  }
0x22b: {  	p0 =	sne.s32 s6, $0x0;
	_ =	sdelay $0x3  }
0x22c: {  	vm0 =	veq.s32 v11, v10  }
0x22d: {  	v12 =	vmpcnt.ones.xlane vm0;
	_ =	sdelay $0x1  }
0x22e: {  	v12 =	vxor.u32 $0x80000000, v12  }
0x22f: {  	(xrf0) =	vmax.scan.msk.u32 $0xffff, v12;
	s2 =	spop (v2sf)  }
0x230: {  	p1 =	slt.s32 s0, $0x40;
	s2 =	sxor.u32 $0x80000000, s2  }
0x231: {  	s2 =	simm.s32 @!p1 $0x0  }
0x232: {  	s0 =	sadd.s32 s0, s2  }
0x233: {  	p1 =	sgt.s32 s0, $0x3F  }
0x234: {  	vm0 =	veq.s32 @!p1 v11, v10  }
0x235: {  	s30 =	sadd.s32 $0x10, s30;
	[tilespmem:s0+$0x6980] =	vst.msk @!p1 vm0, v11;
	v11, _, _ =	vpop (xrf0)  }
0x236: {  	v12 =	vld @!p1 [tilespmem:s30+$0x0];
	(v2sf) =	vpush v11, $0xF  }
.Ltmp16:
0x237: {  	(pc) =	sbr.rel @p0 .LBB2_24-.Ltmp16, $2  }
0x238: {  	_ =	sdelay $0x2  }
0x239: {  	s1 =	sadd.s32 $0x10, s1;
	[tilespmem:s0+$0x6A00] =	vst.msk @!p1 vm0, v12  }
.LBB2_25:
0x23a: {  	_ =	sdelay $0x8  }
0x23b: {  	s0 =	spop (v2sf)  }
.LBB2_26:
0x23c: {  	s0 =	rddreg [dreg:$0x2]  }
0x23d: {  	[tilespmem:s21], [sflag:$0x1] =	stream.indirect.gather [hbm4b:s0+s15], $0x80, s20, s15, $0xb8;
	[tilespmem:$0xAB80] =	vst v63  }
0x23e: {  	_ =	swait.ge [sflag:s18], $0x2000  }
0x23f: {  	[sflag:s18] =	ssyncset.done $0x0  }
0x240: {  	[sflag:s18] =	ssyncadd.s32 $0xFFFFE000  }
0x241: {  	[tilespmem:s22], [sflag:$0x1] =	stream.indirect.gather [hbm4b:s3+s15], $0x80, s20, s15, $0xb8;
	[tilespmem:$0xAB80] =	vst v63  }
0x242: {  	_ =	swait.ge [sflag:s18], $0x2000  }
0x243: {  	[sflag:s18] =	ssyncset.done $0x0  }
0x244: {  	s30 =	simm.s32 $0x6B40;
	[sflag:s18] =	ssyncadd.s32 $0xFFFFE000  }
0x245: {  	v10 =	vld [tilespmem:s30+$0xFFFFFFC0]  }
0x246: {  	s29 =	simm.s32 $0x0;
	s0 =	simm.s32 $0x1;
	v11 =	vld [tilespmem:$0x0]  }
.LBB2_27:
0x247: {  	p0 =	sne.s32 s0, $0x3F;
	v12 =	vld [tilespmem:$0x10]  }
0x248: {  	v13 =	vld [tilespmem:s30+$0xFFFFFFD0]  }
0x249: {  	v14 =	vld [tilespmem:$0x20]  }
0x24a: {  	v15 =	vld [tilespmem:s30+$0xFFFFFFE0]  }
0x24b: {  	v10 =	vmul.f32 v10, v11;
	v11 =	vld [tilespmem:$0x30]  }
0x24c: {  	v16 =	vld [tilespmem:s30+$0xFFFFFFF0]  }
0x24d: {  	v10 =	vadd.f32 $0.0e+00, v10;
	v12 =	vmul.f32 v13, v12;
	v13 =	vld [tilespmem:$0x40]  }
0x24e: {  	v17 =	vld [tilespmem:s30+$0x0]  }
0x24f: {  	v10 =	vadd.f32 v12, v10;
	v12 =	vmul.f32 v15, v14;
	v14 =	vld [tilespmem:$0x50]  }
0x250: {  	v15 =	vld [tilespmem:s30+$0x10]  }
0x251: {  	v10 =	vadd.f32 v12, v10;
	v11 =	vmul.f32 v16, v11;
	v12 =	vld [tilespmem:$0x60]  }
0x252: {  	v16 =	vld [tilespmem:s30+$0x20]  }
0x253: {  	v10 =	vadd.f32 v11, v10;
	v11 =	vmul.f32 v17, v13;
	v13 =	vld [tilespmem:$0x70]  }
0x254: {  	v17 =	vld [tilespmem:s30+$0x30]  }
0x255: {  	v10 =	vadd.f32 v11, v10;
	v11 =	vmul.f32 v15, v14;
	_ =	sdelay $0x1  }
0x256: {  	v10 =	vadd.f32 v11, v10;
	v11 =	vmul.f32 v16, v12;
	_ =	sdelay $0x1  }
0x257: {  	v10 =	vadd.f32 v11, v10;
	v11 =	vmul.f32 v17, v13;
	_ =	sdelay $0x1  }
0x258: {  	v10 =	vadd.f32 v11, v10;
	_ =	sdelay $0x1  }
0x259: {  	(xrf2) =	vadd.scan.msk.f32 $0xffff, v10;
	_ =	sdelay $0x7  }
0x25a: {  	v10 =	vmov s29;
	s29 =	smov.u32 s0;
	_ =	sdelay $0x1  }
0x25b: {  	v11, _, _ =	vpop (xrf2)  }
.Ltmp17:
0x25c: {  	v11 =	vbroadcast v11, $0xF;
	(pc) =	sbr.rel @p0 .LBB2_27-.Ltmp17, $4  }
0x25d: {  	_ = 	snop  }
0x25e: {  	s30 =	sadd.s32 $0x80, s30;
	[tilespmem:v10+s23+$0x0] =	vst.idx.msk $0x1, v11  }
0x25f: {  	v10 =	vld [tilespmem:s30+$0xFFFFFFC0]  }
0x260: {  	s0 =	sadd.s32 $0x1, s0;
	v11 =	vld [tilespmem:$0x0]  }
0x261: {  	v12 =	vld [tilespmem:$0x10]  }
0x262: {  	v13 =	vld [tilespmem:s30+$0xFFFFFFD0]  }
0x263: {  	v14 =	vld [tilespmem:$0x20]  }
0x264: {  	v15 =	vld [tilespmem:s30+$0xFFFFFFE0]  }
0x265: {  	v16 =	vld [tilespmem:s30+$0xFFFFFFF0];
	v10 =	vmul.f32 v10, v11  }
0x266: {  	v11 =	vld [tilespmem:$0x30]  }
0x267: {  	v17 =	vld [tilespmem:s30+$0x0];
	v12 =	vmul.f32 v13, v12;
	v10 =	vadd.f32 $0.0e+00, v10  }
0x268: {  	v13 =	vld [tilespmem:$0x40]  }
0x269: {  	v10 =	vadd.f32 v12, v10;
	v12 =	vmul.f32 v15, v14;
	v14 =	vld [tilespmem:$0x50]  }
0x26a: {  	v15 =	vld [tilespmem:s30+$0x10]  }
0x26b: {  	v11 =	vmul.f32 v16, v11;
	v16 =	vld [tilespmem:s30+$0x20];
	v10 =	vadd.f32 v12, v10  }
0x26c: {  	v12 =	vld [tilespmem:$0x60]  }
0x26d: {  	v10 =	vadd.f32 v11, v10;
	v11 =	vmul.f32 v17, v13;
	v13 =	vld [tilespmem:$0x70]  }
0x26e: {  	v17 =	vld [tilespmem:s30+$0x30]  }
0x26f: {  	v10 =	vadd.f32 v11, v10;
	v11 =	vmul.f32 v15, v14;
	_ =	sdelay $0x1  }
0x270: {  	v10 =	vadd.f32 v11, v10;
	v11 =	vmul.f32 v16, v12;
	_ =	sdelay $0x1  }
0x271: {  	v10 =	vadd.f32 v11, v10;
	v11 =	vmul.f32 v17, v13;
	_ =	sdelay $0x1  }
0x272: {  	v10 =	vadd.f32 v11, v10;
	_ =	sdelay $0x1  }
0x273: {  	(xrf2) =	vadd.scan.msk.f32 $0xffff, v10;
	_ =	sdelay $0x7  }
0x274: {  	v10 =	vmov s29;
	_ =	sdelay $0x1  }
0x275: {  	v11, _, _ =	vpop (xrf2)  }
0x276: {  	v11 =	vbroadcast v11, $0xF;
	_ =	sdelay $0x1  }
0x277: {  	[tilespmem:v10+s23+$0x0] =	vst.idx.msk $0x1, v11  }
0x278: {  	v10 =	vld [tilespmem:$0x6A80];
	_ =	sdelay $0x4  }
0x279: {  	v11 =	vmul.f32 $4.471499850e-02, v10;
	_ =	sdelay $0x1  }
0x27a: {  	v11 =	vmul.f32 v11, v10;
	_ =	sdelay $0x1  }
0x27b: {  	v11 =	vmul.f32 v11, v10;
	_ =	sdelay $0x1  }
0x27c: {  	v11 =	vadd.f32 v11, v10;
	_ =	sdelay $0x1  }
0x27d: {  	v12 =	vld [tilespmem:$0x6A90];
	v11 =	vmul.f32 $7.978845830e-01, v11;
	_ =	sdelay $0x1  }
0x27e: {  	v11 =	vadd.f32 v11, v11;
	_ =	sdelay $0x1  }
0x27f: {  	v11 =	vmul.f32 $1.442695020e+00, v11  }
0x280: {  	v13 =	vmul.f32 $4.471499850e-02, v12  }
0x281: {  	(erf) = vpow2.f32 v11  }
0x282: {  	v11 =	vmul.f32 v13, v12;
	_ =	sdelay $0x1  }
0x283: {  	v11 =	vmul.f32 v11, v12;
	_ =	sdelay $0x1  }
0x284: {  	v11 =	vadd.f32 v11, v12;
	_ =	sdelay $0x1  }
0x285: {  	v13 =	vld [tilespmem:$0x6AA0];
	v11 =	vmul.f32 $7.978845830e-01, v11;
	_ =	sdelay $0x1  }
0x286: {  	v11 =	vadd.f32 v11, v11;
	v14 =	vpop (erf)  }
0x287: {  	v14 =	vadd.f32 $1.000000000e+00, v14  }
0x288: {  	v11 =	vmul.f32 $1.442695020e+00, v11  }
0x289: {  	(erf) = vrcp.f32 v14;
	v14 =	vmul.f32 $4.471499850e-02, v13  }
0x28a: {  	(erf) = vpow2.f32 v11  }
0x28b: {  	v11 =	vmul.f32 v14, v13;
	_ =	sdelay $0x1  }
0x28c: {  	v11 =	vmul.f32 v11, v13;
	_ =	sdelay $0x1  }
0x28d: {  	v11 =	vadd.f32 v11, v13;
	_ =	sdelay $0x1  }
0x28e: {  	v14 =	vld [tilespmem:$0x6AB0];
	v11 =	vmul.f32 $7.978845830e-01, v11  }
0x28f: {  	v15 =	vpop (erf)  }
0x290: {  	v16 =	vpop (erf);
	v11 =	vadd.f32 v11, v11  }
0x291: {  	v16 =	vadd.f32 $1.000000000e+00, v16  }
0x292: {  	v11 =	vmul.f32 $1.442695020e+00, v11  }
0x293: {  	(erf) = vrcp.f32 v16;
	v16 =	vmul.f32 $4.471499850e-02, v14  }
0x294: {  	(erf) = vpow2.f32 v11  }
0x295: {  	v11 =	vmul.f32 v16, v14;
	_ =	sdelay $0x1  }
0x296: {  	v11 =	vmul.f32 v11, v14;
	_ =	sdelay $0x1  }
0x297: {  	v11 =	vadd.f32 v11, v14;
	_ =	sdelay $0x1  }
0x298: {  	v11 =	vmul.f32 $7.978845830e-01, v11  }
0x299: {  	v16 =	vpop (erf)  }
0x29a: {  	v17 =	vpop (erf);
	v11 =	vadd.f32 v11, v11  }
0x29b: {  	v17 =	vadd.f32 $1.000000000e+00, v17  }
0x29c: {  	v11 =	vmul.f32 $1.442695020e+00, v11  }
0x29d: {  	(erf) = vrcp.f32 v17  }
0x29e: {  	(erf) = vpow2.f32 v11;
	_ =	sdelay $0x7  }
0x29f: {  	v11 =	vpop (erf)  }
0x2a0: {  	v18 =	vld [tilespmem:$0x6980];
	v17 =	vpop (erf)  }
0x2a1: {  	v17 =	vadd.f32 $1.000000000e+00, v17  }
0x2a2: {  	v15 =	vadd.f32 v15, v15  }
0x2a3: {  	(erf) = vrcp.f32 v17  }
0x2a4: {  	v15 =	vsub.f32 $1.000000000e+00, v15  }
0x2a5: {  	vm0 =	vlt.s32 v18, $0x0  }
0x2a6: {  	v19 =	vsel vm0, $0x0, v9;
	v10 =	vmul.f32 $5.000000000e-01, v10;
	v15 =	vadd.f32 $1.000000000e+00, v15  }
0x2a7: {  	v18 =	vxor.u32 v19, v18;
	v19 =	vld [tilespmem:$0x69A0];
	v16 =	vadd.f32 v16, v16  }
0x2a8: {  	v10 =	vmul.f32 v15, v10;
	v17 =	vld [tilespmem:$0x6990]  }
0x2a9: {  	v18 =	vxor.u32 $0x80000000, v18;
	v16 =	vsub.f32 $1.000000000e+00, v16  }
0x2aa: {  	v10 =	vmul.f32 v18, v10;
	v18 =	vld [tilespmem:$0x69B0];
	v11 =	vadd.f32 v11, v11  }
0x2ab: {  	v12 =	vmul.f32 $5.000000000e-01, v12;
	v15 =	vadd.f32 $1.000000000e+00, v16  }
0x2ac: {  	vm14 =	vlt.s32 v19, $0x0;
	v13 =	vmul.f32 $5.000000000e-01, v13;
	v11 =	vsub.f32 $1.000000000e+00, v11;
	v20 =	vpop (erf)  }
0x2ad: {  	v12 =	vmul.f32 v15, v12;
	vm13 =	vlt.s32 v17, $0x0;
	v15 =	vadd.f32 v20, v20  }
0x2ae: {  	v14 =	vmul.f32 $5.000000000e-01, v14;
	v11 =	vadd.f32 $1.000000000e+00, v11;
	v16 =	vsel vm13, $0x0, v9  }
0x2af: {  	vm15 =	vlt.s32 v18, $0x0;
	v16 =	vxor.u32 v16, v17;
	v15 =	vsub.f32 $1.000000000e+00, v15  }
0x2b0: {  	v11 =	vmul.f32 v11, v13;
	v13 =	vsel vm15, $0x0, v9;
	v16 =	vxor.u32 $0x80000000, v16  }
0x2b1: {  	v12 =	vmul.f32 v16, v12;
	v16 =	vsel vm14, $0x0, v9;
	v15 =	vadd.f32 $1.000000000e+00, v15  }
0x2b2: {  	s0 =	simm.s32 $0x0;
	v13 =	vxor.u32 v13, v18;
	v16 =	vxor.u32 v16, v19  }
0x2b3: {  	v16 =	vxor.u32 $0x80000000, v16;
	v14 =	vmul.f32 v15, v14;
	v15 =	vmov s0  }
0x2b4: {  	[tilespmem:$0x6A80] =	vst v10;
	v10 =	vmul.f32 v16, v11;
	v11 =	vxor.u32 $0x80000000, v13  }
0x2b5: {  	[tilespmem:$0x6A90] =	vst v12;
	v11 =	vmul.f32 v11, v14  }
0x2b6: {  	[tilespmem:$0x6AA0] =	vst v10  }
0x2b7: {  	[tilespmem:$0x6AB0] =	vst v11  }
0x2b8: {  	s30 =	simm.s32 $0x8B40;
	v19 =	vld.idx.msk [tilespmem:v15+s23+$0x0], $0xffff  }
0x2b9: {  	v10 =	vld [tilespmem:s30+$0x30]  }
0x2ba: {  	v11 =	vld [tilespmem:s30+$0xFFFFFFC0]  }
0x2bb: {  	v12 =	vld [tilespmem:s30+$0xFFFFFFD0]  }
0x2bc: {  	s1 =	simm.s32 $0x1;
	v15 =	vld [tilespmem:s30+$0xFFFFFFE0]  }
0x2bd: {  	v13 =	vmov s1;
	v16 =	vld [tilespmem:s30+$0xFFFFFFF0]  }
0x2be: {  	v18 =	vld [tilespmem:s30+$0x0]  }
0x2bf: {  	v22 =	vld [tilespmem:s30+$0x10]  }
0x2c0: {  	s31 =	simm.s32 $0x2;
	v25 =	vld [tilespmem:s30+$0x20]  }
0x2c1: {  	v23 =	vmov s31;
	v17 =	vmul.f32 v11, v19  }
0x2c2: {  	s0 =	simm.s32 $0x8BC0;
	v14 =	vimm.f32 $0.0e+00;
	v10 =	vmul.f32 v10, v19;
	v20 =	vmul.f32 v12, v19;
	v11 =	vld.idx.msk [tilespmem:v13+s23+$0x0], $0xffff  }
0x2c3: {  	v15 =	vmul.f32 v15, v19;
	v16 =	vmul.f32 v16, v19;
	v12 =	vadd.f32 v17, v14;
	v17 =	vld [tilespmem:s0+$0x30]  }
0x2c4: {  	v18 =	vmul.f32 v18, v19;
	v24 =	vmul.f32 v22, v19;
	v13 =	vadd.f32 v20, v14;
	v20 =	vld [tilespmem:s0+$0xFFFFFFC0]  }
0x2c5: {  	v21 =	vld [tilespmem:s0+$0xFFFFFFD0];
	v25 =	vmul.f32 v25, v19;
	v10 =	vadd.f32 v10, v14;
	v15 =	vadd.f32 v15, v14  }
0x2c6: {  	s1 =	simm.s32 $0x3;
	v22 =	vld [tilespmem:s0+$0xFFFFFFE0];
	v19 =	vimm.f32 $0.0e+00;
	v16 =	vadd.f32 v16, v14;
	v18 =	vadd.f32 v18, v14  }
.LBB2_29:
0x2c7: {  	p0 =	sne.s32 s1, $0x3F;
	v26 =	vld [tilespmem:s0+$0xFFFFFFF0];
	v14 =	vadd.f32 v24, v14  }
0x2c8: {  	v24 =	vld [tilespmem:s0+$0x0];
	v17 =	vmul.f32 v17, v11;
	v19 =	vadd.f32 v25, v19;
	v25 =	vmov v11  }
0x2c9: {  	v20 =	vmul.f32 v20, v25;
	v27 =	vld [tilespmem:s0+$0x10]  }
0x2ca: {  	v21 =	vmul.f32 v21, v25;
	v28 =	vld [tilespmem:s0+$0x20];
	v10 =	vadd.f32 v17, v10  }
.Ltmp18:
0x2cb: {  	s0 =	sadd.s32 $0x80, s0;
	v11 =	vld.idx.msk [tilespmem:v23+s23+$0x0], $0xffff;
	v12 =	vadd.f32 v20, v12;
	v22 =	vmul.f32 v22, v25;
	(pc) =	sbr.rel @p0 .LBB2_29-.Ltmp18, $4  }
0x2cc: {  	v17 =	vld [tilespmem:s0+$0x30];
	v13 =	vadd.f32 v21, v13;
	v23 =	vmul.f32 v26, v25  }
0x2cd: {  	v20 =	vld [tilespmem:s0+$0xFFFFFFC0];
	v15 =	vadd.f32 v22, v15;
	v26 =	vmul.f32 v24, v25  }
0x2ce: {  	v21 =	vld [tilespmem:s0+$0xFFFFFFD0];
	v16 =	vadd.f32 v23, v16;
	v24 =	vmul.f32 v27, v25  }
0x2cf: {  	v23 =	vmov s1;
	s1 =	sadd.s32 $0x1, s1;
	v22 =	vld [tilespmem:s0+$0xFFFFFFE0];
	v18 =	vadd.f32 v26, v18;
	v25 =	vmul.f32 v28, v25  }
0x2d0: {  	v26 =	vld [tilespmem:s0+$0xFFFFFFF0]  }
0x2d1: {  	v27 =	vld [tilespmem:s0+$0x0]  }
0x2d2: {  	v28 =	vld [tilespmem:s0+$0x10]  }
0x2d3: {  	v29 =	vld [tilespmem:s0+$0x20]  }
0x2d4: {  	v23 =	vld.idx.msk [tilespmem:v23+s23+$0x0], $0xffff;
	s30 =	sadd.s32 $0x80, s0  }
0x2d5: {  	v30 =	vld [tilespmem:s30+$0xFFFFFFC0]  }
0x2d6: {  	v31 =	vld [tilespmem:s30+$0xFFFFFFD0]  }
0x2d7: {  	v14 =	vadd.f32 v24, v14;
	v46 =	vld [tilespmem:s30+$0xFFFFFFE0];
	v17 =	vmul.f32 v17, v11  }
0x2d8: {  	v19 =	vadd.f32 v25, v19;
	v55 =	vld [tilespmem:s30+$0x30];
	v20 =	vmul.f32 v20, v11;
	v21 =	vmul.f32 v21, v11  }
0x2d9: {  	v47 =	vld [tilespmem:s30+$0xFFFFFFF0];
	v10 =	vadd.f32 v17, v10;
	v22 =	vmul.f32 v22, v11;
	v48 =	vmul.f32 v26, v11  }
0x2da: {  	v50 =	vld [tilespmem:s30+$0x0];
	v12 =	vadd.f32 v20, v12;
	v49 =	vmul.f32 v27, v11;
	v51 =	vmul.f32 v30, v23  }
0x2db: {  	v54 =	vld [tilespmem:s30+$0x20];
	v13 =	vadd.f32 v21, v13;
	v56 =	vmul.f32 v28, v11;
	v53 =	vmul.f32 v31, v23  }
0x2dc: {  	v52 =	vld [tilespmem:s30+$0x10];
	v15 =	vadd.f32 v22, v15;
	v24 =	vmul.f32 v46, v23;
	v12 =	vadd.f32 v51, v12  }
0x2dd: {  	v11 =	vmul.f32 v29, v11;
	v63 =	vmul.f32 v55, v23;
	v13 =	vadd.f32 v53, v13  }
0x2de: {  	v25 =	vmul.f32 v47, v23;
	v16 =	vadd.f32 v48, v16;
	v15 =	vadd.f32 v24, v15;
	[tilespmem:$0xAB00] =	vst v12  }
0x2df: {  	v57 =	vmul.f32 v50, v23;
	v18 =	vadd.f32 v49, v18;
	v10 =	vadd.f32 v63, v10;
	[tilespmem:$0xAB10] =	vst v13  }
0x2e0: {  	v62 =	vmul.f32 v54, v23;
	v11 =	vadd.f32 v11, v19;
	v59 =	vadd.f32 v25, v16;
	[tilespmem:$0xAB20] =	vst v15  }
0x2e1: {  	v60 =	vmul.f32 v52, v23;
	v58 =	vadd.f32 v56, v14;
	v61 =	vadd.f32 v57, v18;
	[tilespmem:$0xAB70] =	vst v10  }
0x2e2: {  	v11 =	vadd.f32 v62, v11;
	[tilespmem:$0xAB30] =	vst v59  }
0x2e3: {  	s26 =	sadd.s32 $0x1, s26;
	v12 =	vadd.f32 v60, v58;
	[tilespmem:$0xAB40] =	vst v61  }
0x2e4: {  	p0 =	sne.s32 s26, $0x20;
	[tilespmem:$0xAB60] =	vst v11  }
.Ltmp19:
0x2e5: {  	s31 =	sadd.s32 s4, s28;
	[tilespmem:$0xAB50] =	vst v12;
	(pc) =	sbr.rel @p0 .LBB2_2-.Ltmp19, $4  }
0x2e6: {  	[hbm4b:s31+s5] =	stream.linear.scatter [tilespmem:s24], [sflag:$0x2], $0x80, $0x38;
	[tilespmem:$0xAB80] =	vst v63  }
0x2e7: {  	_ =	swait.ge [sflag:s11], $0x80  }
0x2e8: {  	[sflag:s11] =	ssyncset.done $0x0  }
0x2e9: {  	[sflag:s11] =	ssyncadd.s32 $0xFFFFFF80  }
0x2ea: {  	s1 =	rddreg [dreg:$0x7]  }
0x2eb: {  	s0 =	rddreg [dreg:$0x6];
	s1 =	sadd.s32 $0x1, s1  }
0x2ec: {  	p0 =	sne.s32 s1, s0  }
.Ltmp20:
0x2ed: {  	_ = 	snop;
	(pc) =	sbr.rel @p0 .LBB2_1-.Ltmp20, $1  }
0x2ee: {  	_ =	sdelay $0x3  }
0x2ef: {  	_ =	sfence.sel $0x180000  }
0x2f0: {  	[bflag:$0x0] =	sbarrier.arrive $0xFFFF  }
0x2f1: {  	_ =	strace $0x90000047  }
0x2f2: {  	s0 =	stileid.u32;
	[bflag:$0x2] =	sbarrier.arrive $0xFFFF  }
0x2f3: {  	p0 =	sne.s32 s0, $0x0;
	s0 =	rddreg [dreg:$0x5]  }
0x2f4: {  	s0 =	sadd.s32 @!p0 $0x100000, s0  }
0x2f5: {  	[sflag:s0] =	ssyncadd.tile.s32 @!p0 $0x1;
	_ =	shalt  }
.Lfunc_end2:
_tile_overlayer_lowered:
.L_overlay_start_2:
0x2f6: {  	(tag) =	ssettag $0x2  }
0x2f7: {  	s0 =	rddreg [dreg:$0x0];
	s2 =	stileid.u32  }
0x2f8: {  	s1 =	rddreg [dreg:$0x1];
	p0 =	sne.s32 s2, $0x0  }
0x2f9: {  	s3 =	rddreg [dreg:$0x2];
	[bflag:$0x3] =	sbarrier.arrive $0xFFFF;
	s2 =	simm.s32 @!p0 $0x1C02  }
0x2fa: {  	[timem:s3], [sflag:s2] =	dma.local @!p0 [hbm:s0], s1  }
0x2fb: {  	s0 =	simm.s32 @!p0 $0x2  }
0x2fc: {  	_ =	swait.ge @!p0 [sflag:s0], s1  }
0x2fd: {  	s1 =	ssub.s32 @!p0 $0x0, s1;
	[sflag:s0] =	ssyncset.done @!p0 $0x0  }
0x2fe: {  	[sflag:s0] =	ssyncadd.s32 @!p0 s1  }
0x2ff: {  	[bflag:$0x3] =	sbarrier.arrive $0xFFFF  }
0x300: {  	_ =	shalt  }

</sc_bundles>
